<compile_context>
chip_gen: v7x
topology: tpu7x:2x2x1
jax: 0.10.2.dev20260603
libtpu: 0.0.44.dev20260713+nightly
codegen_flags: <defaults>
</compile_context>

<pallas_src>
import jax
import jax.numpy as jnp
from jax import lax
from jax.experimental import pallas as pl
from jax.experimental.pallas import tpu as pltpu
from jax.experimental.pallas import tpu_sc as plsc

N_NODES_K = 10000
N_EDGES_K = 320000
D_K = 128

NPAD = 10240
CHUNK = 80
N_CHUNKS = N_EDGES_K // CHUNK
NC, NS = 2, 16
NW = NC * NS
CHUNKS_PER_TILE = N_CHUNKS // NW
IB = 25
NB = CHUNKS_PER_TILE // IB
ROWS_PER_SUB = NPAD // NS
DEGW = 16


def _fill(ref2d, value):
    n = ref2d.shape[0] * ref2d.shape[1] // 16
    def body(i, _):
        ref2d[i // 8, pl.ds((i % 8) * 16, 16)] = jnp.full((16,), value,
                                                          jnp.float32)
        return 0
    lax.fori_loop(0, n, body, 0)


def _sc_scatter(src_hbm, dst_hbm, feat_hbm, acc_out, deg_out,
                acc_sh, sidx, didx, rows, semA, semB, semI):
    cid = lax.axis_index("c")
    sid = lax.axis_index("s")
    wid = sid * NC + cid
    zbase = sid * ROWS_PER_SUB
    blk0 = wid * NB

    def zero_acc():
        _fill(rows.at[0], 0.0)
        def z(k, _):
            pltpu.sync_copy(rows.at[0],
                            acc_sh.at[pl.ds(zbase + k * CHUNK, CHUNK)])
            return 0
        lax.fori_loop(0, ROWS_PER_SUB // CHUNK, z, 0)

    zero_acc()
    plsc.subcore_barrier()

    pltpu.sync_copy(src_hbm.at[blk0], sidx.at[0])
    pltpu.sync_copy(dst_hbm.at[blk0], didx.at[0])

    def blk1(bi, _):
        s = lax.rem(bi, 2)
        nxt = 1 - s
        @pl.when(bi + 1 < NB)
        def _():
            pltpu.async_copy(src_hbm.at[blk0 + bi + 1], sidx.at[nxt], semI)
            pltpu.async_copy(dst_hbm.at[blk0 + bi + 1], didx.at[nxt], semI)
        pltpu.async_copy(feat_hbm.at[sidx.at[s, 0]], rows.at[0], semA)
        def chunk1(j, _):
            p = lax.rem(j, 2)
            @pl.when(j + 1 < IB)
            def _():
                pltpu.async_copy(feat_hbm.at[sidx.at[s, j + 1]],
                                 rows.at[1 - p], semA)
            pltpu.make_async_copy(feat_hbm.at[sidx.at[s, j]],
                                  rows.at[p], semA).wait()
            pltpu.sync_copy(rows.at[p], acc_sh.at[didx.at[s, j]], add=True)
            return 0
        lax.fori_loop(0, IB, chunk1, 0)
        @pl.when(bi + 1 < NB)
        def _():
            pltpu.make_async_copy(src_hbm.at[blk0 + bi + 1], sidx.at[nxt],
                                  semI).wait()
            pltpu.make_async_copy(dst_hbm.at[blk0 + bi + 1], didx.at[nxt],
                                  semI).wait()
        return 0
    lax.fori_loop(0, NB, blk1, 0)
    plsc.subcore_barrier()

    def acc_copy(k, _):
        o = zbase + k * CHUNK
        pltpu.sync_copy(acc_sh.at[pl.ds(o, CHUNK)], rows.at[0])
        pltpu.sync_copy(rows.at[0], acc_out.at[cid, pl.ds(o, CHUNK)])
        return 0
    lax.fori_loop(0, ROWS_PER_SUB // CHUNK, acc_copy, 0)
    plsc.subcore_barrier()

    _fill(rows.at[0], 1.0)
    pltpu.sync_copy(dst_hbm.at[blk0], didx.at[0])

    def fire_blk(s):
        def fire(j, _):
            pltpu.async_copy(rows.at[0], acc_sh.at[didx.at[s, j]], semB,
                             add=True)
            return 0
        lax.fori_loop(0, IB, fire, 0)

    def drain_blk(s):
        def drain(j, _):
            pltpu.make_async_copy(rows.at[0], acc_sh.at[didx.at[s, j]],
                                  semB).wait()
            return 0
        lax.fori_loop(0, IB, drain, 0)

    fire_blk(0)
    def blk2(bi, _):
        s = lax.rem(bi, 2)
        pltpu.sync_copy(dst_hbm.at[blk0 + bi], didx.at[s])
        fire_blk(s)
        drain_blk(1 - s)
        return 0
    lax.fori_loop(1, NB, blk2, 0)
    drain_blk((NB - 1) % 2)
    plsc.subcore_barrier()

    def deg_copy(k, _):
        o = zbase + k * CHUNK
        pltpu.sync_copy(acc_sh.at[pl.ds(o, CHUNK)], rows.at[0])
        pltpu.sync_copy(rows.at[0], deg_out.at[cid, pl.ds(o, CHUNK)])
        return 0
    lax.fori_loop(0, ROWS_PER_SUB // CHUNK, deg_copy, 0)


def _make_sc_kernel():
    mesh = plsc.VectorSubcoreMesh(core_axis_name="c", subcore_axis_name="s")
    return pl.kernel(
        _sc_scatter,
        out_type=(
            jax.ShapeDtypeStruct((NC, NPAD, D_K), jnp.float32),
            jax.ShapeDtypeStruct((NC, NPAD, D_K), jnp.float32),
        ),
        mesh=mesh,
        scratch_types=[
            pltpu.VMEM_SHARED((NPAD, D_K), jnp.float32),
            pltpu.VMEM((2, IB, CHUNK), jnp.int32),
            pltpu.VMEM((2, IB, CHUNK), jnp.int32),
            pltpu.VMEM((2, CHUNK, D_K), jnp.float32),
            pltpu.SemaphoreType.DMA,
            pltpu.SemaphoreType.DMA,
            pltpu.SemaphoreType.DMA,
        ],
    )


def _tc_finish(acc_ref, deg_ref, w_ref, b_ref, out_ref):
    a = acc_ref[0] + acc_ref[1]
    d = deg_ref[0, :, :1] + deg_ref[1, :, :1] - a[:, :1]
    d = jnp.round(d)
    h = jnp.where(d > 0, a / jnp.maximum(d, 1.0), 0.0)
    y = lax.dot_general(h, w_ref[...], (((1,), (1,)), ((), ())),
                        preferred_element_type=jnp.float32)
    out_ref[...] = y + b_ref[...]


def kernel(feature, edge_index, W, b):
    src3d = edge_index[0].reshape(NW * NB, IB, CHUNK)
    dst3d = edge_index[1].reshape(NW * NB, IB, CHUNK)

    acc, deg = _make_sc_kernel()(src3d, dst3d, feature)

    R = 1280
    grid = (NPAD // R,)
    out = pl.pallas_call(
        _tc_finish,
        grid=grid,
        in_specs=[
            pl.BlockSpec((NC, R, D_K), lambda i: (0, i, 0)),
            pl.BlockSpec((NC, R, D_K), lambda i: (0, i, 0)),
            pl.BlockSpec((D_K, D_K), lambda i: (0, 0)),
            pl.BlockSpec((1, D_K), lambda i: (0, 0)),
        ],
        out_specs=pl.BlockSpec((R, D_K), lambda i: (i, 0)),
        out_shape=jax.ShapeDtypeStruct((N_NODES_K, D_K), jnp.float32),
    )(acc, deg, W, b.reshape(1, D_K))
    return out

# --- scband reference (transcript-rebuilt; emitter-appended) ---
"""Pipeline reference for scband-gcnlayer-64725157151107 (READ-ONLY COPY).

The authoritative reference and input builder live on the scoring server;
editing this copy changes nothing except your own understanding.
"""

import jax, jax.numpy as jnp
import numpy as np

N_NODES = 10000
N_EDGES = 320000
D_IN = 128
D_OUT = 128


def setup_inputs(seed: int = 0) -> dict:
    key = jax.random.key(seed)
    k1, k2, k3, k4 = jax.random.split(key, 4)
    feature = jax.random.normal(k1, (N_NODES, D_IN), dtype=jnp.float32)
    edge_index = jax.random.randint(k2, (2, N_EDGES), 0, N_NODES, dtype=jnp.int32)
    # nn.Linear(in_feats, out_feats) parameters
    W = jax.random.normal(k3, (D_OUT, D_IN), dtype=jnp.float32) * (1.0 / np.sqrt(D_IN))
    b = jax.random.normal(k4, (D_OUT,), dtype=jnp.float32) * (1.0 / np.sqrt(D_IN))
    return {"feature": feature, "edge_index": edge_index, "W": W, "b": b}


def reference(feature, edge_index, W, b):
    # DGL update_all(copy_src('h','m'), mean('m','h')):
    #   each edge copies the source node feature as its message,
    #   each node averages incoming messages (zero if no in-edges).
    src = edge_index[0]
    dst = edge_index[1]
    msgs = jnp.take(feature, src, axis=0)                      # gather: [E, D_IN]
    summed = jax.ops.segment_sum(msgs, dst, num_segments=N_NODES)  # scatter-add
    ones = jnp.ones((dst.shape[0], 1), dtype=feature.dtype)
    deg = jax.ops.segment_sum(ones, dst, num_segments=N_NODES)    # in-degree
    h = jnp.where(deg > 0, summed / jnp.maximum(deg, 1.0), 0.0)
    # self.linear(h)
    return h @ W.T + b

if __name__ == "__main__":
    import jax
    _d = setup_inputs()
    print(jax.jit(kernel)(*tuple(_d.values())))

</pallas_src>

<mosaic_0001>
#map = affine_map<(d0, d1) -> (0, 0, 0)>
#map1 = affine_map<(d0, d1) -> (0, 0)>
module attributes {stable_mosaic.version = 14 : i64} {
  func.func @_sc_scatter(%arg0: i32, %arg1: i32, %arg2: memref<160x25x80xi32, #tpu.memory_space<hbm>>, %arg3: memref<160x25x80xi32, #tpu.memory_space<hbm>>, %arg4: memref<10000x128xf32, #tpu.memory_space<hbm>>, %arg5: memref<2x10240x128xf32, #tpu.memory_space<hbm>>, %arg6: memref<2x10240x128xf32, #tpu.memory_space<hbm>>, %arg7: memref<10240x128xf32, #tpu.memory_space<vmem_shared>>, %arg8: memref<2x25x80xi32, #tpu.memory_space<vmem>>, %arg9: memref<2x25x80xi32, #tpu.memory_space<vmem>>, %arg10: memref<2x80x128xf32, #tpu.memory_space<vmem>>, %arg11: memref<!tpu.dma_semaphore, #tpu.memory_space<semaphore_mem>>, %arg12: memref<!tpu.dma_semaphore, #tpu.memory_space<semaphore_mem>>, %arg13: memref<!tpu.dma_semaphore, #tpu.memory_space<semaphore_mem>>) attributes {dimension_semantics = [#tpu.dimension_semantics<core_parallel>, #tpu.dimension_semantics<subcore_parallel>], iteration_bounds = array<i64: 2, 16>, scalar_prefetch = 0 : i64, scratch_operands = 7 : i64, tpu.core_type = #tpu.core_type<sc_vector_subcore>, window_params = [{transform_indices = #map}, {transform_indices = #map}, {transform_indices = #map1}, {transform_indices = #map}, {transform_indices = #map}]} {
    %mul3A = arith.constant 2 : i32
    %mul3A_0 = arith.muli %arg1, %mul3A : i32
    %add3A = arith.addi %mul3A_0, %arg0 : i32
    %mul3A_1 = arith.constant 640 : i32
    %mul3A_2 = arith.muli %arg1, %mul3A_1 : i32
    %mul3A_3 = arith.constant 5 : i32
    %mul3A_4 = arith.muli %add3A, %mul3A_3 : i32
    %scan3A = arith.constant 0 : i32
    %scan3A_5 = arith.constant 0 : i32
    %scan3A_6 = arith.constant 0 : i32
    %scan3A_7 = arith.constant 640 : i32
    %scan3A_8 = arith.addi %scan3A_6, %scan3A_7 : i32
    %scan3A_9 = arith.constant 1 : i32
    %scan3A_10 = scf.for %scan3A_74 = %scan3A_6 to %scan3A_8 step %scan3A_9 iter_args(%scan3A_75 = %scan3A_5) -> (i32)  : i32 {
      %broadcast_in_dim3A = arith.constant 0.000000e+00 : f32
      %broadcast_in_dim3A_76 = vector.broadcast %broadcast_in_dim3A : f32 to vector<16xf32>
      %jit3A = arith.constant 8 : i32
      %div3A = arith.divsi %scan3A_74, %jit3A : i32
      %sign3A = arith.constant 0 : i32
      %sign3A_77 = arith.cmpi sgt, %scan3A_74, %sign3A : i32
      %sign3A_78 = arith.extui %sign3A_77 : i1 to i32
      %sign3A_79 = arith.constant 0 : i32
      %sign3A_80 = arith.cmpi slt, %scan3A_74, %sign3A_79 : i32
      %sign3A_81 = arith.extui %sign3A_80 : i1 to i32
      %sign3A_82 = arith.subi %sign3A_78, %sign3A_81 : i32
      %sign3A_83 = arith.constant 0 : i32
      %sign3A_84 = arith.cmpi sgt, %jit3A, %sign3A_83 : i32
      %sign3A_85 = arith.extui %sign3A_84 : i1 to i32
      %sign3A_86 = arith.constant 0 : i32
      %sign3A_87 = arith.cmpi slt, %jit3A, %sign3A_86 : i32
      %sign3A_88 = arith.extui %sign3A_87 : i1 to i32
      %sign3A_89 = arith.subi %sign3A_85, %sign3A_88 : i32
      %ne3A = arith.cmpi ne, %sign3A_82, %sign3A_89 : i32
      %rem3A = arith.remsi %scan3A_74, %jit3A : i32
      %ne3A_90 = arith.constant 0 : i32
      %ne3A_91 = arith.cmpi ne, %rem3A, %ne3A_90 : i32
      %and3A = arith.andi %ne3A, %ne3A_91 : i1
      %sub3A = arith.constant 1 : i32
      %sub3A_92 = arith.subi %div3A, %sub3A : i32
      %select_n3A = arith.select %and3A, %sub3A_92, %div3A : i32
      %jit3A_93 = arith.constant 8 : i32
      %eq3A = arith.constant 0 : i32
      %eq3A_94 = arith.cmpi eq, %jit3A_93, %eq3A : i32
      %jit3A_95 = arith.constant 1 : i32
      %select_n3A_96 = arith.select %eq3A_94, %jit3A_95, %jit3A_93 : i32
      %rem3A_97 = arith.remsi %scan3A_74, %select_n3A_96 : i32
      %ne3A_98 = arith.constant 0 : i32
      %ne3A_99 = arith.cmpi ne, %rem3A_97, %ne3A_98 : i32
      %lt3A = arith.constant 0 : i32
      %lt3A_100 = arith.cmpi slt, %rem3A_97, %lt3A : i32
      %lt3A_101 = arith.constant 0 : i32
      %lt3A_102 = arith.cmpi slt, %select_n3A_96, %lt3A_101 : i32
      %ne3A_103 = arith.xori %lt3A_100, %lt3A_102 : i1
      %and3A_104 = arith.andi %ne3A_103, %ne3A_99 : i1
      %add3A_105 = arith.addi %rem3A_97, %select_n3A_96 : i32
      %select_n3A_106 = arith.select %and3A_104, %add3A_105, %rem3A_97 : i32
      %mul3A_107 = arith.constant 16 : i32
      %mul3A_108 = arith.muli %select_n3A_106, %mul3A_107 : i32
      %swap3A = arith.constant 0 : i32
      %swap3A_109 = arith.constant 0 : i32
      %swap3A_110 = tpu.memref_slice %arg10[%scan3A, %swap3A, %swap3A_109] : memref<2x80x128xf32, #tpu.memory_space<vmem>> -> memref<1x80x128xf32, #tpu.memory_space<vmem>>
      %swap3A_111 = tpu.memref_squeeze %swap3A_110 : memref<1x80x128xf32, #tpu.memory_space<vmem>> -> memref<80x128xf32, #tpu.memory_space<vmem>>
      %swap3A_112 = arith.index_cast %select_n3A : i32 to index
      %swap3A_113 = arith.index_cast %mul3A_108 : i32 to index
      %swap3A_114 = tpu.vector_load %swap3A_111[%swap3A_112, %swap3A_113] {strides = array<i32>} : memref<80x128xf32, #tpu.memory_space<vmem>>, vector<1x16xf32>,
      %swap3A_115 = vector.shape_cast %swap3A_114 : vector<1x16xf32> to vector<16xf32>
      %swap3A_116 = vector.shape_cast %broadcast_in_dim3A_76 : vector<16xf32> to vector<1x16xf32>
      tpu.vector_store %swap3A_111[%swap3A_112, %swap3A_113], %swap3A_116 {strides = array<i32>} : memref<80x128xf32, #tpu.memory_space<vmem>>, vector<1x16xf32>,
      %scan3A_117 = arith.constant 0 : i32
      scf.yield %scan3A_117 : i32
    }
    %scan3A_11 = arith.constant 640 : i32
    %scan3A_12 = arith.constant 0 : i32
    %scan3A_13 = arith.constant 0 : i32
    %scan3A_14 = arith.constant 8 : i32
    %scan3A_15 = arith.addi %scan3A_13, %scan3A_14 : i32
    %scan3A_16 = arith.constant 1 : i32
    %scan3A_17 = scf.for %scan3A_74 = %scan3A_13 to %scan3A_15 step %scan3A_16 iter_args(%scan3A_75 = %scan3A_12) -> (i32)  : i32 {
      %mul3A_76 = arith.constant 80 : i32
      %mul3A_77 = arith.muli %scan3A_74, %mul3A_76 : i32
      %add3A_78 = arith.addi %mul3A_2, %mul3A_77 : i32
      %run_scoped3A_79 = arith.constant 0 : i32
      "tpu.region"() ({
        %run_scoped3A_81 = tpu.sem_alloc : memref<!tpu.dma_semaphore, #tpu.memory_space<semaphore_mem>>
        %dma_start3A = arith.constant 0 : i32
        %dma_start3A_82 = arith.constant 0 : i32
        %dma_start3A_83 = tpu.memref_slice %arg10[%run_scoped3A_79, %dma_start3A, %dma_start3A_82] : memref<2x80x128xf32, #tpu.memory_space<vmem>> -> memref<1x80x128xf32, #tpu.memory_space<vmem>>
        %dma_start3A_84 = tpu.memref_squeeze %dma_start3A_83 : memref<1x80x128xf32, #tpu.memory_space<vmem>> -> memref<80x128xf32, #tpu.memory_space<vmem>>
        %dma_start3A_85 = arith.constant 0 : i32
        %dma_start3A_86 = tpu.memref_slice %arg7[%add3A_78, %dma_start3A_85] : memref<10240x128xf32, #tpu.memory_space<vmem_shared>> -> memref<80x128xf32, #tpu.memory_space<vmem_shared>>
        %dma_start3A_87 = arith.constant 0 : i32
        %dma_start3A_88 = tpu.memref_slice %arg7[%add3A_78, %dma_start3A_87] : memref<10240x128xf32, #tpu.memory_space<vmem_shared>> -> memref<80x128xf32, #tpu.memory_space<vmem_shared>>
        %dma_start3A_89 = arith.constant 0 : i32
        %dma_start3A_90 = arith.constant 0 : i32
        %dma_start3A_91 = tpu.memref_slice %arg10[%run_scoped3A_79, %dma_start3A_89, %dma_start3A_90] : memref<2x80x128xf32, #tpu.memory_space<vmem>> -> memref<1x80x128xf32, #tpu.memory_space<vmem>>
        %dma_start3A_92 = tpu.memref_squeeze %dma_start3A_91 : memref<1x80x128xf32, #tpu.memory_space<vmem>> -> memref<80x128xf32, #tpu.memory_space<vmem>>
        tpu.enqueue_dma source(%dma_start3A_92 : memref<80x128xf32, #tpu.memory_space<vmem>>) target(%dma_start3A_88 : memref<80x128xf32, #tpu.memory_space<vmem_shared>>) target_semaphore(%run_scoped3A_81 : memref<!tpu.dma_semaphore, #tpu.memory_space<semaphore_mem>>)
        %dma_wait3A = arith.constant 0 : i32
        %dma_wait3A_93 = arith.constant 0 : i32
        %dma_wait3A_94 = tpu.memref_slice %arg10[%run_scoped3A_79, %dma_wait3A, %dma_wait3A_93] : memref<2x80x128xf32, #tpu.memory_space<vmem>> -> memref<1x80x128xf32, #tpu.memory_space<vmem>>
        %dma_wait3A_95 = tpu.memref_squeeze %dma_wait3A_94 : memref<1x80x128xf32, #tpu.memory_space<vmem>> -> memref<80x128xf32, #tpu.memory_space<vmem>>
        %dma_wait3A_96 = arith.constant 0 : i32
        %dma_wait3A_97 = tpu.memref_slice %arg7[%add3A_78, %dma_wait3A_96] : memref<10240x128xf32, #tpu.memory_space<vmem_shared>> -> memref<80x128xf32, #tpu.memory_space<vmem_shared>>
        %dma_wait3A_98 = arith.constant 0 : i32
        %dma_wait3A_99 = tpu.memref_slice %arg7[%add3A_78, %dma_wait3A_98] : memref<10240x128xf32, #tpu.memory_space<vmem_shared>> -> memref<80x128xf32, #tpu.memory_space<vmem_shared>>
        %dma_wait3A_100 = arith.constant 0 : i32
        %dma_wait3A_101 = arith.constant 0 : i32
        %dma_wait3A_102 = tpu.memref_slice %arg10[%run_scoped3A_79, %dma_wait3A_100, %dma_wait3A_101] : memref<2x80x128xf32, #tpu.memory_space<vmem>> -> memref<1x80x128xf32, #tpu.memory_space<vmem>>
        %dma_wait3A_103 = tpu.memref_squeeze %dma_wait3A_102 : memref<1x80x128xf32, #tpu.memory_space<vmem>> -> memref<80x128xf32, #tpu.memory_space<vmem>>
        tpu.wait_dma2 semaphore(%run_scoped3A_81 : memref<!tpu.dma_semaphore, #tpu.memory_space<semaphore_mem>>) src(%dma_wait3A_103 : memref<80x128xf32, #tpu.memory_space<vmem>>) dst(%dma_wait3A_99 : memref<80x128xf32, #tpu.memory_space<vmem_shared>>)
        tpu.yield
      }) : () -> ()
      %scan3A_80 = arith.constant 0 : i32
      scf.yield %scan3A_80 : i32
    }
    %scan3A_18 = arith.constant 8 : i32
    %barrier3A = arith.constant 0 : index
    tpu.barrier barrier_id(%barrier3A)
    %run_scoped3A = arith.constant 0 : i32
    "tpu.region"() ({
      %run_scoped3A_74 = tpu.sem_alloc : memref<!tpu.dma_semaphore, #tpu.memory_space<semaphore_mem>>
      %dma_start3A = arith.constant 0 : i32
      %dma_start3A_75 = arith.constant 0 : i32
      %dma_start3A_76 = tpu.memref_slice %arg8[%run_scoped3A, %dma_start3A, %dma_start3A_75] : memref<2x25x80xi32, #tpu.memory_space<vmem>> -> memref<1x25x80xi32, #tpu.memory_space<vmem>>
      %dma_start3A_77 = tpu.memref_squeeze %dma_start3A_76 : memref<1x25x80xi32, #tpu.memory_space<vmem>> -> memref<25x80xi32, #tpu.memory_space<vmem>>
      %dma_start3A_78 = arith.constant 0 : i32
      %dma_start3A_79 = arith.constant 0 : i32
      %dma_start3A_80 = tpu.memref_slice %arg2[%mul3A_4, %dma_start3A_78, %dma_start3A_79] : memref<160x25x80xi32, #tpu.memory_space<hbm>> -> memref<1x25x80xi32, #tpu.memory_space<hbm>>
      %dma_start3A_81 = tpu.memref_squeeze %dma_start3A_80 : memref<1x25x80xi32, #tpu.memory_space<hbm>> -> memref<25x80xi32, #tpu.memory_space<hbm>>
      %dma_start3A_82 = arith.constant 0 : i32
      %dma_start3A_83 = arith.constant 0 : i32
      %dma_start3A_84 = tpu.memref_slice %arg8[%run_scoped3A, %dma_start3A_82, %dma_start3A_83] : memref<2x25x80xi32, #tpu.memory_space<vmem>> -> memref<1x25x80xi32, #tpu.memory_space<vmem>>
      %dma_start3A_85 = tpu.memref_squeeze %dma_start3A_84 : memref<1x25x80xi32, #tpu.memory_space<vmem>> -> memref<25x80xi32, #tpu.memory_space<vmem>>
      %dma_start3A_86 = arith.constant 0 : i32
      %dma_start3A_87 = arith.constant 0 : i32
      %dma_start3A_88 = tpu.memref_slice %arg2[%mul3A_4, %dma_start3A_86, %dma_start3A_87] : memref<160x25x80xi32, #tpu.memory_space<hbm>> -> memref<1x25x80xi32, #tpu.memory_space<hbm>>
      %dma_start3A_89 = tpu.memref_squeeze %dma_start3A_88 : memref<1x25x80xi32, #tpu.memory_space<hbm>> -> memref<25x80xi32, #tpu.memory_space<hbm>>
      tpu.enqueue_dma source(%dma_start3A_89 : memref<25x80xi32, #tpu.memory_space<hbm>>) target(%dma_start3A_85 : memref<25x80xi32, #tpu.memory_space<vmem>>) target_semaphore(%run_scoped3A_74 : memref<!tpu.dma_semaphore, #tpu.memory_space<semaphore_mem>>)
      %dma_wait3A = arith.constant 0 : i32
      %dma_wait3A_90 = arith.constant 0 : i32
      %dma_wait3A_91 = tpu.memref_slice %arg8[%run_scoped3A, %dma_wait3A, %dma_wait3A_90] : memref<2x25x80xi32, #tpu.memory_space<vmem>> -> memref<1x25x80xi32, #tpu.memory_space<vmem>>
      %dma_wait3A_92 = tpu.memref_squeeze %dma_wait3A_91 : memref<1x25x80xi32, #tpu.memory_space<vmem>> -> memref<25x80xi32, #tpu.memory_space<vmem>>
      %dma_wait3A_93 = arith.constant 0 : i32
      %dma_wait3A_94 = arith.constant 0 : i32
      %dma_wait3A_95 = tpu.memref_slice %arg2[%mul3A_4, %dma_wait3A_93, %dma_wait3A_94] : memref<160x25x80xi32, #tpu.memory_space<hbm>> -> memref<1x25x80xi32, #tpu.memory_space<hbm>>
      %dma_wait3A_96 = tpu.memref_squeeze %dma_wait3A_95 : memref<1x25x80xi32, #tpu.memory_space<hbm>> -> memref<25x80xi32, #tpu.memory_space<hbm>>
      %dma_wait3A_97 = arith.constant 0 : i32
      %dma_wait3A_98 = arith.constant 0 : i32
      %dma_wait3A_99 = tpu.memref_slice %arg8[%run_scoped3A, %dma_wait3A_97, %dma_wait3A_98] : memref<2x25x80xi32, #tpu.memory_space<vmem>> -> memref<1x25x80xi32, #tpu.memory_space<vmem>>
      %dma_wait3A_100 = tpu.memref_squeeze %dma_wait3A_99 : memref<1x25x80xi32, #tpu.memory_space<vmem>> -> memref<25x80xi32, #tpu.memory_space<vmem>>
      %dma_wait3A_101 = arith.constant 0 : i32
      %dma_wait3A_102 = arith.constant 0 : i32
      %dma_wait3A_103 = tpu.memref_slice %arg2[%mul3A_4, %dma_wait3A_101, %dma_wait3A_102] : memref<160x25x80xi32, #tpu.memory_space<hbm>> -> memref<1x25x80xi32, #tpu.memory_space<hbm>>
      %dma_wait3A_104 = tpu.memref_squeeze %dma_wait3A_103 : memref<1x25x80xi32, #tpu.memory_space<hbm>> -> memref<25x80xi32, #tpu.memory_space<hbm>>
      tpu.wait_dma2 semaphore(%run_scoped3A_74 : memref<!tpu.dma_semaphore, #tpu.memory_space<semaphore_mem>>) src(%dma_wait3A_104 : memref<25x80xi32, #tpu.memory_space<hbm>>) dst(%dma_wait3A_100 : memref<25x80xi32, #tpu.memory_space<vmem>>)
      tpu.yield
    }) : () -> ()
    %run_scoped3A_19 = arith.constant 0 : i32
    "tpu.region"() ({
      %run_scoped3A_74 = tpu.sem_alloc : memref<!tpu.dma_semaphore, #tpu.memory_space<semaphore_mem>>
      %dma_start3A = arith.constant 0 : i32
      %dma_start3A_75 = arith.constant 0 : i32
      %dma_start3A_76 = tpu.memref_slice %arg9[%run_scoped3A_19, %dma_start3A, %dma_start3A_75] : memref<2x25x80xi32, #tpu.memory_space<vmem>> -> memref<1x25x80xi32, #tpu.memory_space<vmem>>
      %dma_start3A_77 = tpu.memref_squeeze %dma_start3A_76 : memref<1x25x80xi32, #tpu.memory_space<vmem>> -> memref<25x80xi32, #tpu.memory_space<vmem>>
      %dma_start3A_78 = arith.constant 0 : i32
      %dma_start3A_79 = arith.constant 0 : i32
      %dma_start3A_80 = tpu.memref_slice %arg3[%mul3A_4, %dma_start3A_78, %dma_start3A_79] : memref<160x25x80xi32, #tpu.memory_space<hbm>> -> memref<1x25x80xi32, #tpu.memory_space<hbm>>
      %dma_start3A_81 = tpu.memref_squeeze %dma_start3A_80 : memref<1x25x80xi32, #tpu.memory_space<hbm>> -> memref<25x80xi32, #tpu.memory_space<hbm>>
      %dma_start3A_82 = arith.constant 0 : i32
      %dma_start3A_83 = arith.constant 0 : i32
      %dma_start3A_84 = tpu.memref_slice %arg9[%run_scoped3A_19, %dma_start3A_82, %dma_start3A_83] : memref<2x25x80xi32, #tpu.memory_space<vmem>> -> memref<1x25x80xi32, #tpu.memory_space<vmem>>
      %dma_start3A_85 = tpu.memref_squeeze %dma_start3A_84 : memref<1x25x80xi32, #tpu.memory_space<vmem>> -> memref<25x80xi32, #tpu.memory_space<vmem>>
      %dma_start3A_86 = arith.constant 0 : i32
      %dma_start3A_87 = arith.constant 0 : i32
      %dma_start3A_88 = tpu.memref_slice %arg3[%mul3A_4, %dma_start3A_86, %dma_start3A_87] : memref<160x25x80xi32, #tpu.memory_space<hbm>> -> memref<1x25x80xi32, #tpu.memory_space<hbm>>
      %dma_start3A_89 = tpu.memref_squeeze %dma_start3A_88 : memref<1x25x80xi32, #tpu.memory_space<hbm>> -> memref<25x80xi32, #tpu.memory_space<hbm>>
      tpu.enqueue_dma source(%dma_start3A_89 : memref<25x80xi32, #tpu.memory_space<hbm>>) target(%dma_start3A_85 : memref<25x80xi32, #tpu.memory_space<vmem>>) target_semaphore(%run_scoped3A_74 : memref<!tpu.dma_semaphore, #tpu.memory_space<semaphore_mem>>)
      %dma_wait3A = arith.constant 0 : i32
      %dma_wait3A_90 = arith.constant 0 : i32
      %dma_wait3A_91 = tpu.memref_slice %arg9[%run_scoped3A_19, %dma_wait3A, %dma_wait3A_90] : memref<2x25x80xi32, #tpu.memory_space<vmem>> -> memref<1x25x80xi32, #tpu.memory_space<vmem>>
      %dma_wait3A_92 = tpu.memref_squeeze %dma_wait3A_91 : memref<1x25x80xi32, #tpu.memory_space<vmem>> -> memref<25x80xi32, #tpu.memory_space<vmem>>
      %dma_wait3A_93 = arith.constant 0 : i32
      %dma_wait3A_94 = arith.constant 0 : i32
      %dma_wait3A_95 = tpu.memref_slice %arg3[%mul3A_4, %dma_wait3A_93, %dma_wait3A_94] : memref<160x25x80xi32, #tpu.memory_space<hbm>> -> memref<1x25x80xi32, #tpu.memory_space<hbm>>
      %dma_wait3A_96 = tpu.memref_squeeze %dma_wait3A_95 : memref<1x25x80xi32, #tpu.memory_space<hbm>> -> memref<25x80xi32, #tpu.memory_space<hbm>>
      %dma_wait3A_97 = arith.constant 0 : i32
      %dma_wait3A_98 = arith.constant 0 : i32
      %dma_wait3A_99 = tpu.memref_slice %arg9[%run_scoped3A_19, %dma_wait3A_97, %dma_wait3A_98] : memref<2x25x80xi32, #tpu.memory_space<vmem>> -> memref<1x25x80xi32, #tpu.memory_space<vmem>>
      %dma_wait3A_100 = tpu.memref_squeeze %dma_wait3A_99 : memref<1x25x80xi32, #tpu.memory_space<vmem>> -> memref<25x80xi32, #tpu.memory_space<vmem>>
      %dma_wait3A_101 = arith.constant 0 : i32
      %dma_wait3A_102 = arith.constant 0 : i32
      %dma_wait3A_103 = tpu.memref_slice %arg3[%mul3A_4, %dma_wait3A_101, %dma_wait3A_102] : memref<160x25x80xi32, #tpu.memory_space<hbm>> -> memref<1x25x80xi32, #tpu.memory_space<hbm>>
      %dma_wait3A_104 = tpu.memref_squeeze %dma_wait3A_103 : memref<1x25x80xi32, #tpu.memory_space<hbm>> -> memref<25x80xi32, #tpu.memory_space<hbm>>
      tpu.wait_dma2 semaphore(%run_scoped3A_74 : memref<!tpu.dma_semaphore, #tpu.memory_space<semaphore_mem>>) src(%dma_wait3A_104 : memref<25x80xi32, #tpu.memory_space<hbm>>) dst(%dma_wait3A_100 : memref<25x80xi32, #tpu.memory_space<vmem>>)
      tpu.yield
    }) : () -> ()
    %scan3A_20 = arith.constant 0 : i32
    %scan3A_21 = arith.constant 0 : i32
    %scan3A_22 = arith.constant 5 : i32
    %scan3A_23 = arith.addi %scan3A_21, %scan3A_22 : i32
    %scan3A_24 = arith.constant 1 : i32
    %scan3A_25 = scf.for %scan3A_74 = %scan3A_21 to %scan3A_23 step %scan3A_24 iter_args(%scan3A_75 = %scan3A_20) -> (i32)  : i32 {
      %rem3A = arith.constant 2 : i32
      %rem3A_76 = arith.remsi %scan3A_74, %rem3A : i32
      %sub3A = arith.constant 1 : i32
      %sub3A_77 = arith.subi %sub3A, %rem3A_76 : i32
      %add3A_78 = arith.constant 1 : i32
      %add3A_79 = arith.addi %scan3A_74, %add3A_78 : i32
      %lt3A = arith.constant 5 : i32
      %lt3A_80 = arith.cmpi slt, %add3A_79, %lt3A : i32
      %convert_element_type3A = arith.extui %lt3A_80 : i1 to i32
      %cond3A = arith.constant 0 : i32
      %cond3A_81 = arith.cmpi ne, %convert_element_type3A, %cond3A : i32
      scf.if %cond3A_81 {
        %add3A_108 = arith.addi %mul3A_4, %scan3A_74 : i32
        %add3A_109 = arith.constant 1 : i32
        %add3A_110 = arith.addi %add3A_108, %add3A_109 : i32
        %dma_start3A_111 = arith.constant 0 : i32
        %dma_start3A_112 = arith.constant 0 : i32
        %dma_start3A_113 = tpu.memref_slice %arg8[%sub3A_77, %dma_start3A_111, %dma_start3A_112] : memref<2x25x80xi32, #tpu.memory_space<vmem>> -> memref<1x25x80xi32, #tpu.memory_space<vmem>>
        %dma_start3A_114 = tpu.memref_squeeze %dma_start3A_113 : memref<1x25x80xi32, #tpu.memory_space<vmem>> -> memref<25x80xi32, #tpu.memory_space<vmem>>
        %dma_start3A_115 = arith.constant 0 : i32
        %dma_start3A_116 = arith.constant 0 : i32
        %dma_start3A_117 = tpu.memref_slice %arg2[%add3A_110, %dma_start3A_115, %dma_start3A_116] : memref<160x25x80xi32, #tpu.memory_space<hbm>> -> memref<1x25x80xi32, #tpu.memory_space<hbm>>
        %dma_start3A_118 = tpu.memref_squeeze %dma_start3A_117 : memref<1x25x80xi32, #tpu.memory_space<hbm>> -> memref<25x80xi32, #tpu.memory_space<hbm>>
        %dma_start3A_119 = arith.constant 0 : i32
        %dma_start3A_120 = arith.constant 0 : i32
        %dma_start3A_121 = tpu.memref_slice %arg8[%sub3A_77, %dma_start3A_119, %dma_start3A_120] : memref<2x25x80xi32, #tpu.memory_space<vmem>> -> memref<1x25x80xi32, #tpu.memory_space<vmem>>
        %dma_start3A_122 = tpu.memref_squeeze %dma_start3A_121 : memref<1x25x80xi32, #tpu.memory_space<vmem>> -> memref<25x80xi32, #tpu.memory_space<vmem>>
        %dma_start3A_123 = arith.constant 0 : i32
        %dma_start3A_124 = arith.constant 0 : i32
        %dma_start3A_125 = tpu.memref_slice %arg2[%add3A_110, %dma_start3A_123, %dma_start3A_124] : memref<160x25x80xi32, #tpu.memory_space<hbm>> -> memref<1x25x80xi32, #tpu.memory_space<hbm>>
        %dma_start3A_126 = tpu.memref_squeeze %dma_start3A_125 : memref<1x25x80xi32, #tpu.memory_space<hbm>> -> memref<25x80xi32, #tpu.memory_space<hbm>>
        tpu.enqueue_dma source(%dma_start3A_126 : memref<25x80xi32, #tpu.memory_space<hbm>>) target(%dma_start3A_122 : memref<25x80xi32, #tpu.memory_space<vmem>>) target_semaphore(%arg13 : memref<!tpu.dma_semaphore, #tpu.memory_space<semaphore_mem>>)
        %add3A_127 = arith.addi %mul3A_4, %scan3A_74 : i32
        %add3A_128 = arith.constant 1 : i32
        %add3A_129 = arith.addi %add3A_127, %add3A_128 : i32
        %dma_start3A_130 = arith.constant 0 : i32
        %dma_start3A_131 = arith.constant 0 : i32
        %dma_start3A_132 = tpu.memref_slice %arg9[%sub3A_77, %dma_start3A_130, %dma_start3A_131] : memref<2x25x80xi32, #tpu.memory_space<vmem>> -> memref<1x25x80xi32, #tpu.memory_space<vmem>>
        %dma_start3A_133 = tpu.memref_squeeze %dma_start3A_132 : memref<1x25x80xi32, #tpu.memory_space<vmem>> -> memref<25x80xi32, #tpu.memory_space<vmem>>
        %dma_start3A_134 = arith.constant 0 : i32
        %dma_start3A_135 = arith.constant 0 : i32
        %dma_start3A_136 = tpu.memref_slice %arg3[%add3A_129, %dma_start3A_134, %dma_start3A_135] : memref<160x25x80xi32, #tpu.memory_space<hbm>> -> memref<1x25x80xi32, #tpu.memory_space<hbm>>
        %dma_start3A_137 = tpu.memref_squeeze %dma_start3A_136 : memref<1x25x80xi32, #tpu.memory_space<hbm>> -> memref<25x80xi32, #tpu.memory_space<hbm>>
        %dma_start3A_138 = arith.constant 0 : i32
        %dma_start3A_139 = arith.constant 0 : i32
        %dma_start3A_140 = tpu.memref_slice %arg9[%sub3A_77, %dma_start3A_138, %dma_start3A_139] : memref<2x25x80xi32, #tpu.memory_space<vmem>> -> memref<1x25x80xi32, #tpu.memory_space<vmem>>
        %dma_start3A_141 = tpu.memref_squeeze %dma_start3A_140 : memref<1x25x80xi32, #tpu.memory_space<vmem>> -> memref<25x80xi32, #tpu.memory_space<vmem>>
        %dma_start3A_142 = arith.constant 0 : i32
        %dma_start3A_143 = arith.constant 0 : i32
        %dma_start3A_144 = tpu.memref_slice %arg3[%add3A_129, %dma_start3A_142, %dma_start3A_143] : memref<160x25x80xi32, #tpu.memory_space<hbm>> -> memref<1x25x80xi32, #tpu.memory_space<hbm>>
        %dma_start3A_145 = tpu.memref_squeeze %dma_start3A_144 : memref<1x25x80xi32, #tpu.memory_space<hbm>> -> memref<25x80xi32, #tpu.memory_space<hbm>>
        tpu.enqueue_dma source(%dma_start3A_145 : memref<25x80xi32, #tpu.memory_space<hbm>>) target(%dma_start3A_141 : memref<25x80xi32, #tpu.memory_space<vmem>>) target_semaphore(%arg13 : memref<!tpu.dma_semaphore, #tpu.memory_space<semaphore_mem>>)
      } else {
      }
      %dma_start3A = arith.constant 0 : i32
      %dma_start3A_82 = arith.constant 0 : i32
      %dma_start3A_83 = arith.constant 0 : i32
      %dma_start3A_84 = arith.constant 0 : i32
      %dma_start3A_85 = tpu.memref_slice %arg10[%dma_start3A_82, %dma_start3A_83, %dma_start3A_84] : memref<2x80x128xf32, #tpu.memory_space<vmem>> -> memref<1x80x128xf32, #tpu.memory_space<vmem>>
      %dma_start3A_86 = tpu.memref_squeeze %dma_start3A_85 : memref<1x80x128xf32, #tpu.memory_space<vmem>> -> memref<80x128xf32, #tpu.memory_space<vmem>>
      %dma_start3A_87 = arith.constant 0 : i32
      %dma_start3A_88 = tpu.memref_slice %arg8[%rem3A_76, %dma_start3A, %dma_start3A_87] : memref<2x25x80xi32, #tpu.memory_space<vmem>> -> memref<1x1x80xi32, #tpu.memory_space<vmem>>
      %dma_start3A_89 = tpu.memref_squeeze %dma_start3A_88 : memref<1x1x80xi32, #tpu.memory_space<vmem>> -> memref<80xi32, #tpu.memory_space<vmem>>
      %dma_start3A_90 = arith.constant 0 : i32
      %dma_start3A_91 = arith.constant 0 : i32
      %dma_start3A_92 = tpu.memref_slice %arg4[%dma_start3A_90, %dma_start3A_91] : memref<10000x128xf32, #tpu.memory_space<hbm>> -> memref<10000x128xf32, #tpu.memory_space<hbm>>
      tpu.enqueue_indirect_dma source(%dma_start3A_92 : memref<10000x128xf32, #tpu.memory_space<hbm>>) target(%dma_start3A_86 : memref<80x128xf32, #tpu.memory_space<vmem>>) offsets(%dma_start3A_89 : memref<80xi32, #tpu.memory_space<vmem>>) semaphore(%arg11 : memref<!tpu.dma_semaphore, #tpu.memory_space<semaphore_mem>>)
      %scan3A_93 = arith.constant 0 : i32
      %scan3A_94 = arith.constant 0 : i32
      %scan3A_95 = arith.constant 25 : i32
      %scan3A_96 = arith.addi %scan3A_94, %scan3A_95 : i32
      %scan3A_97 = arith.constant 1 : i32
      %scan3A_98 = scf.for %scan3A_108 = %scan3A_94 to %scan3A_96 step %scan3A_97 iter_args(%scan3A_109 = %scan3A_93) -> (i32)  : i32 {
        %rem3A_110 = arith.constant 2 : i32
        %rem3A_111 = arith.remsi %scan3A_108, %rem3A_110 : i32
        %add3A_112 = arith.constant 1 : i32
        %add3A_113 = arith.addi %scan3A_108, %add3A_112 : i32
        %lt3A_114 = arith.constant 25 : i32
        %lt3A_115 = arith.cmpi slt, %add3A_113, %lt3A_114 : i32
        %convert_element_type3A_116 = arith.extui %lt3A_115 : i1 to i32
        %cond3A_117 = arith.constant 0 : i32
        %cond3A_118 = arith.cmpi ne, %convert_element_type3A_116, %cond3A_117 : i32
        scf.if %cond3A_118 {
          %add3A_129 = arith.constant 1 : i32
          %add3A_130 = arith.addi %scan3A_108, %add3A_129 : i32
          %sub3A_131 = arith.constant 1 : i32
          %sub3A_132 = arith.subi %sub3A_131, %rem3A_111 : i32
          %dma_start3A_133 = arith.constant 0 : i32
          %dma_start3A_134 = arith.constant 0 : i32
          %dma_start3A_135 = tpu.memref_slice %arg10[%sub3A_132, %dma_start3A_133, %dma_start3A_134] : memref<2x80x128xf32, #tpu.memory_space<vmem>> -> memref<1x80x128xf32, #tpu.memory_space<vmem>>
          %dma_start3A_136 = tpu.memref_squeeze %dma_start3A_135 : memref<1x80x128xf32, #tpu.memory_space<vmem>> -> memref<80x128xf32, #tpu.memory_space<vmem>>
          %dma_start3A_137 = arith.constant 0 : i32
          %dma_start3A_138 = tpu.memref_slice %arg8[%rem3A_76, %add3A_130, %dma_start3A_137] : memref<2x25x80xi32, #tpu.memory_space<vmem>> -> memref<1x1x80xi32, #tpu.memory_space<vmem>>
          %dma_start3A_139 = tpu.memref_squeeze %dma_start3A_138 : memref<1x1x80xi32, #tpu.memory_space<vmem>> -> memref<80xi32, #tpu.memory_space<vmem>>
          %dma_start3A_140 = arith.constant 0 : i32
          %dma_start3A_141 = arith.constant 0 : i32
          %dma_start3A_142 = tpu.memref_slice %arg4[%dma_start3A_140, %dma_start3A_141] : memref<10000x128xf32, #tpu.memory_space<hbm>> -> memref<10000x128xf32, #tpu.memory_space<hbm>>
          tpu.enqueue_indirect_dma source(%dma_start3A_142 : memref<10000x128xf32, #tpu.memory_space<hbm>>) target(%dma_start3A_136 : memref<80x128xf32, #tpu.memory_space<vmem>>) offsets(%dma_start3A_139 : memref<80xi32, #tpu.memory_space<vmem>>) semaphore(%arg11 : memref<!tpu.dma_semaphore, #tpu.memory_space<semaphore_mem>>)
        } else {
        }
        %dma_wait3A = arith.constant 0 : i32
        %dma_wait3A_119 = arith.constant 0 : i32
        %dma_wait3A_120 = tpu.memref_slice %arg10[%rem3A_111, %dma_wait3A, %dma_wait3A_119] : memref<2x80x128xf32, #tpu.memory_space<vmem>> -> memref<1x80x128xf32, #tpu.memory_space<vmem>>
        %dma_wait3A_121 = tpu.memref_squeeze %dma_wait3A_120 : memref<1x80x128xf32, #tpu.memory_space<vmem>> -> memref<80x128xf32, #tpu.memory_space<vmem>>
        %dma_wait3A_122 = arith.constant 0 : i32
        %dma_wait3A_123 = tpu.memref_slice %arg8[%rem3A_76, %scan3A_108, %dma_wait3A_122] : memref<2x25x80xi32, #tpu.memory_space<vmem>> -> memref<1x1x80xi32, #tpu.memory_space<vmem>>
        %dma_wait3A_124 = tpu.memref_squeeze %dma_wait3A_123 : memref<1x1x80xi32, #tpu.memory_space<vmem>> -> memref<80xi32, #tpu.memory_space<vmem>>
        %dma_wait3A_125 = arith.constant 0 : i32
        %dma_wait3A_126 = arith.constant 0 : i32
        %dma_wait3A_127 = tpu.memref_slice %arg4[%dma_wait3A_125, %dma_wait3A_126] : memref<10000x128xf32, #tpu.memory_space<hbm>> -> memref<10000x128xf32, #tpu.memory_space<hbm>>
        tpu.wait_indirect_dma semaphore(%arg11 : memref<!tpu.dma_semaphore, #tpu.memory_space<semaphore_mem>>) src(%dma_wait3A_127 : memref<10000x128xf32, #tpu.memory_space<hbm>>) dst(%dma_wait3A_121 : memref<80x128xf32, #tpu.memory_space<vmem>>)
        "tpu.region"() ({
          %run_scoped3A_129 = tpu.sem_alloc : memref<!tpu.dma_semaphore, #tpu.memory_space<semaphore_mem>>
          %dma_start3A_130 = arith.constant 0 : i32
          %dma_start3A_131 = arith.constant 0 : i32
          %dma_start3A_132 = tpu.memref_slice %arg10[%rem3A_111, %dma_start3A_130, %dma_start3A_131] : memref<2x80x128xf32, #tpu.memory_space<vmem>> -> memref<1x80x128xf32, #tpu.memory_space<vmem>>
          %dma_start3A_133 = tpu.memref_squeeze %dma_start3A_132 : memref<1x80x128xf32, #tpu.memory_space<vmem>> -> memref<80x128xf32, #tpu.memory_space<vmem>>
          %dma_start3A_134 = arith.constant 0 : i32
          %dma_start3A_135 = tpu.memref_slice %arg9[%rem3A_76, %scan3A_108, %dma_start3A_134] : memref<2x25x80xi32, #tpu.memory_space<vmem>> -> memref<1x1x80xi32, #tpu.memory_space<vmem>>
          %dma_start3A_136 = tpu.memref_squeeze %dma_start3A_135 : memref<1x1x80xi32, #tpu.memory_space<vmem>> -> memref<80xi32, #tpu.memory_space<vmem>>
          %dma_start3A_137 = arith.constant 0 : i32
          %dma_start3A_138 = arith.constant 0 : i32
          %dma_start3A_139 = tpu.memref_slice %arg7[%dma_start3A_137, %dma_start3A_138] : memref<10240x128xf32, #tpu.memory_space<vmem_shared>> -> memref<10240x128xf32, #tpu.memory_space<vmem_shared>>
          tpu.enqueue_indirect_dma source(%dma_start3A_133 : memref<80x128xf32, #tpu.memory_space<vmem>>) target(%dma_start3A_139 : memref<10240x128xf32, #tpu.memory_space<vmem_shared>>) offsets(%dma_start3A_136 : memref<80xi32, #tpu.memory_space<vmem>>) semaphore(%run_scoped3A_129 : memref<!tpu.dma_semaphore, #tpu.memory_space<semaphore_mem>>) {add = true}
          %dma_wait3A_140 = arith.constant 0 : i32
          %dma_wait3A_141 = arith.constant 0 : i32
          %dma_wait3A_142 = tpu.memref_slice %arg10[%rem3A_111, %dma_wait3A_140, %dma_wait3A_141] : memref<2x80x128xf32, #tpu.memory_space<vmem>> -> memref<1x80x128xf32, #tpu.memory_space<vmem>>
          %dma_wait3A_143 = tpu.memref_squeeze %dma_wait3A_142 : memref<1x80x128xf32, #tpu.memory_space<vmem>> -> memref<80x128xf32, #tpu.memory_space<vmem>>
          %dma_wait3A_144 = arith.constant 0 : i32
          %dma_wait3A_145 = tpu.memref_slice %arg9[%rem3A_76, %scan3A_108, %dma_wait3A_144] : memref<2x25x80xi32, #tpu.memory_space<vmem>> -> memref<1x1x80xi32, #tpu.memory_space<vmem>>
          %dma_wait3A_146 = tpu.memref_squeeze %dma_wait3A_145 : memref<1x1x80xi32, #tpu.memory_space<vmem>> -> memref<80xi32, #tpu.memory_space<vmem>>
          %dma_wait3A_147 = arith.constant 0 : i32
          %dma_wait3A_148 = arith.constant 0 : i32
          %dma_wait3A_149 = tpu.memref_slice %arg7[%dma_wait3A_147, %dma_wait3A_148] : memref<10240x128xf32, #tpu.memory_space<vmem_shared>> -> memref<10240x128xf32, #tpu.memory_space<vmem_shared>>
          tpu.wait_indirect_dma semaphore(%run_scoped3A_129 : memref<!tpu.dma_semaphore, #tpu.memory_space<semaphore_mem>>) src(%dma_wait3A_143 : memref<80x128xf32, #tpu.memory_space<vmem>>) dst(%dma_wait3A_149 : memref<10240x128xf32, #tpu.memory_space<vmem_shared>>)
          tpu.yield
        }) : () -> ()
        %scan3A_128 = arith.constant 0 : i32
        scf.yield %scan3A_128 : i32
      }
      %scan3A_99 = arith.constant 25 : i32
      %add3A_100 = arith.constant 1 : i32
      %add3A_101 = arith.addi %scan3A_74, %add3A_100 : i32
      %lt3A_102 = arith.constant 5 : i32
      %lt3A_103 = arith.cmpi slt, %add3A_101, %lt3A_102 : i32
      %convert_element_type3A_104 = arith.extui %lt3A_103 : i1 to i32
      %cond3A_105 = arith.constant 0 : i32
      %cond3A_106 = arith.cmpi ne, %convert_element_type3A_104, %cond3A_105 : i32
      scf.if %cond3A_106 {
        %add3A_108 = arith.addi %mul3A_4, %scan3A_74 : i32
        %add3A_109 = arith.constant 1 : i32
        %add3A_110 = arith.addi %add3A_108, %add3A_109 : i32
        %dma_wait3A = arith.constant 0 : i32
        %dma_wait3A_111 = arith.constant 0 : i32
        %dma_wait3A_112 = tpu.memref_slice %arg8[%sub3A_77, %dma_wait3A, %dma_wait3A_111] : memref<2x25x80xi32, #tpu.memory_space<vmem>> -> memref<1x25x80xi32, #tpu.memory_space<vmem>>
        %dma_wait3A_113 = tpu.memref_squeeze %dma_wait3A_112 : memref<1x25x80xi32, #tpu.memory_space<vmem>> -> memref<25x80xi32, #tpu.memory_space<vmem>>
        %dma_wait3A_114 = arith.constant 0 : i32
        %dma_wait3A_115 = arith.constant 0 : i32
        %dma_wait3A_116 = tpu.memref_slice %arg2[%add3A_110, %dma_wait3A_114, %dma_wait3A_115] : memref<160x25x80xi32, #tpu.memory_space<hbm>> -> memref<1x25x80xi32, #tpu.memory_space<hbm>>
        %dma_wait3A_117 = tpu.memref_squeeze %dma_wait3A_116 : memref<1x25x80xi32, #tpu.memory_space<hbm>> -> memref<25x80xi32, #tpu.memory_space<hbm>>
        %dma_wait3A_118 = arith.constant 0 : i32
        %dma_wait3A_119 = arith.constant 0 : i32
        %dma_wait3A_120 = tpu.memref_slice %arg8[%sub3A_77, %dma_wait3A_118, %dma_wait3A_119] : memref<2x25x80xi32, #tpu.memory_space<vmem>> -> memref<1x25x80xi32, #tpu.memory_space<vmem>>
        %dma_wait3A_121 = tpu.memref_squeeze %dma_wait3A_120 : memref<1x25x80xi32, #tpu.memory_space<vmem>> -> memref<25x80xi32, #tpu.memory_space<vmem>>
        %dma_wait3A_122 = arith.constant 0 : i32
        %dma_wait3A_123 = arith.constant 0 : i32
        %dma_wait3A_124 = tpu.memref_slice %arg2[%add3A_110, %dma_wait3A_122, %dma_wait3A_123] : memref<160x25x80xi32, #tpu.memory_space<hbm>> -> memref<1x25x80xi32, #tpu.memory_space<hbm>>
        %dma_wait3A_125 = tpu.memref_squeeze %dma_wait3A_124 : memref<1x25x80xi32, #tpu.memory_space<hbm>> -> memref<25x80xi32, #tpu.memory_space<hbm>>
        tpu.wait_dma2 semaphore(%arg13 : memref<!tpu.dma_semaphore, #tpu.memory_space<semaphore_mem>>) src(%dma_wait3A_125 : memref<25x80xi32, #tpu.memory_space<hbm>>) dst(%dma_wait3A_121 : memref<25x80xi32, #tpu.memory_space<vmem>>)
        %add3A_126 = arith.addi %mul3A_4, %scan3A_74 : i32
        %add3A_127 = arith.constant 1 : i32
        %add3A_128 = arith.addi %add3A_126, %add3A_127 : i32
        %dma_wait3A_129 = arith.constant 0 : i32
        %dma_wait3A_130 = arith.constant 0 : i32
        %dma_wait3A_131 = tpu.memref_slice %arg9[%sub3A_77, %dma_wait3A_129, %dma_wait3A_130] : memref<2x25x80xi32, #tpu.memory_space<vmem>> -> memref<1x25x80xi32, #tpu.memory_space<vmem>>
        %dma_wait3A_132 = tpu.memref_squeeze %dma_wait3A_131 : memref<1x25x80xi32, #tpu.memory_space<vmem>> -> memref<25x80xi32, #tpu.memory_space<vmem>>
        %dma_wait3A_133 = arith.constant 0 : i32
        %dma_wait3A_134 = arith.constant 0 : i32
        %dma_wait3A_135 = tpu.memref_slice %arg3[%add3A_128, %dma_wait3A_133, %dma_wait3A_134] : memref<160x25x80xi32, #tpu.memory_space<hbm>> -> memref<1x25x80xi32, #tpu.memory_space<hbm>>
        %dma_wait3A_136 = tpu.memref_squeeze %dma_wait3A_135 : memref<1x25x80xi32, #tpu.memory_space<hbm>> -> memref<25x80xi32, #tpu.memory_space<hbm>>
        %dma_wait3A_137 = arith.constant 0 : i32
        %dma_wait3A_138 = arith.constant 0 : i32
        %dma_wait3A_139 = tpu.memref_slice %arg9[%sub3A_77, %dma_wait3A_137, %dma_wait3A_138] : memref<2x25x80xi32, #tpu.memory_space<vmem>> -> memref<1x25x80xi32, #tpu.memory_space<vmem>>
        %dma_wait3A_140 = tpu.memref_squeeze %dma_wait3A_139 : memref<1x25x80xi32, #tpu.memory_space<vmem>> -> memref<25x80xi32, #tpu.memory_space<vmem>>
        %dma_wait3A_141 = arith.constant 0 : i32
        %dma_wait3A_142 = arith.constant 0 : i32
        %dma_wait3A_143 = tpu.memref_slice %arg3[%add3A_128, %dma_wait3A_141, %dma_wait3A_142] : memref<160x25x80xi32, #tpu.memory_space<hbm>> -> memref<1x25x80xi32, #tpu.memory_space<hbm>>
        %dma_wait3A_144 = tpu.memref_squeeze %dma_wait3A_143 : memref<1x25x80xi32, #tpu.memory_space<hbm>> -> memref<25x80xi32, #tpu.memory_space<hbm>>
        tpu.wait_dma2 semaphore(%arg13 : memref<!tpu.dma_semaphore, #tpu.memory_space<semaphore_mem>>) src(%dma_wait3A_144 : memref<25x80xi32, #tpu.memory_space<hbm>>) dst(%dma_wait3A_140 : memref<25x80xi32, #tpu.memory_space<vmem>>)
      } else {
      }
      %scan3A_107 = arith.constant 0 : i32
      scf.yield %scan3A_107 : i32
    }
    %scan3A_26 = arith.constant 5 : i32
    %barrier3A_27 = arith.constant 0 : index
    tpu.barrier barrier_id(%barrier3A_27)
    %scan3A_28 = arith.constant 0 : i32
    %scan3A_29 = arith.constant 0 : i32
    %scan3A_30 = arith.constant 8 : i32
    %scan3A_31 = arith.addi %scan3A_29, %scan3A_30 : i32
    %scan3A_32 = arith.constant 1 : i32
    %scan3A_33 = scf.for %scan3A_74 = %scan3A_29 to %scan3A_31 step %scan3A_32 iter_args(%scan3A_75 = %scan3A_28) -> (i32)  : i32 {
      %mul3A_76 = arith.constant 80 : i32
      %mul3A_77 = arith.muli %scan3A_74, %mul3A_76 : i32
      %add3A_78 = arith.addi %mul3A_2, %mul3A_77 : i32
      %run_scoped3A_79 = arith.constant 0 : i32
      "tpu.region"() ({
        %run_scoped3A_82 = tpu.sem_alloc : memref<!tpu.dma_semaphore, #tpu.memory_space<semaphore_mem>>
        %dma_start3A = arith.constant 0 : i32
        %dma_start3A_83 = arith.constant 0 : i32
        %dma_start3A_84 = tpu.memref_slice %arg10[%run_scoped3A_79, %dma_start3A, %dma_start3A_83] : memref<2x80x128xf32, #tpu.memory_space<vmem>> -> memref<1x80x128xf32, #tpu.memory_space<vmem>>
        %dma_start3A_85 = tpu.memref_squeeze %dma_start3A_84 : memref<1x80x128xf32, #tpu.memory_space<vmem>> -> memref<80x128xf32, #tpu.memory_space<vmem>>
        %dma_start3A_86 = arith.constant 0 : i32
        %dma_start3A_87 = tpu.memref_slice %arg7[%add3A_78, %dma_start3A_86] : memref<10240x128xf32, #tpu.memory_space<vmem_shared>> -> memref<80x128xf32, #tpu.memory_space<vmem_shared>>
        %dma_start3A_88 = arith.constant 0 : i32
        %dma_start3A_89 = arith.constant 0 : i32
        %dma_start3A_90 = tpu.memref_slice %arg10[%run_scoped3A_79, %dma_start3A_88, %dma_start3A_89] : memref<2x80x128xf32, #tpu.memory_space<vmem>> -> memref<1x80x128xf32, #tpu.memory_space<vmem>>
        %dma_start3A_91 = tpu.memref_squeeze %dma_start3A_90 : memref<1x80x128xf32, #tpu.memory_space<vmem>> -> memref<80x128xf32, #tpu.memory_space<vmem>>
        %dma_start3A_92 = arith.constant 0 : i32
        %dma_start3A_93 = tpu.memref_slice %arg7[%add3A_78, %dma_start3A_92] : memref<10240x128xf32, #tpu.memory_space<vmem_shared>> -> memref<80x128xf32, #tpu.memory_space<vmem_shared>>
        tpu.enqueue_dma source(%dma_start3A_93 : memref<80x128xf32, #tpu.memory_space<vmem_shared>>) target(%dma_start3A_91 : memref<80x128xf32, #tpu.memory_space<vmem>>) target_semaphore(%run_scoped3A_82 : memref<!tpu.dma_semaphore, #tpu.memory_space<semaphore_mem>>)
        %dma_wait3A = arith.constant 0 : i32
        %dma_wait3A_94 = arith.constant 0 : i32
        %dma_wait3A_95 = tpu.memref_slice %arg10[%run_scoped3A_79, %dma_wait3A, %dma_wait3A_94] : memref<2x80x128xf32, #tpu.memory_space<vmem>> -> memref<1x80x128xf32, #tpu.memory_space<vmem>>
        %dma_wait3A_96 = tpu.memref_squeeze %dma_wait3A_95 : memref<1x80x128xf32, #tpu.memory_space<vmem>> -> memref<80x128xf32, #tpu.memory_space<vmem>>
        %dma_wait3A_97 = arith.constant 0 : i32
        %dma_wait3A_98 = tpu.memref_slice %arg7[%add3A_78, %dma_wait3A_97] : memref<10240x128xf32, #tpu.memory_space<vmem_shared>> -> memref<80x128xf32, #tpu.memory_space<vmem_shared>>
        %dma_wait3A_99 = arith.constant 0 : i32
        %dma_wait3A_100 = arith.constant 0 : i32
        %dma_wait3A_101 = tpu.memref_slice %arg10[%run_scoped3A_79, %dma_wait3A_99, %dma_wait3A_100] : memref<2x80x128xf32, #tpu.memory_space<vmem>> -> memref<1x80x128xf32, #tpu.memory_space<vmem>>
        %dma_wait3A_102 = tpu.memref_squeeze %dma_wait3A_101 : memref<1x80x128xf32, #tpu.memory_space<vmem>> -> memref<80x128xf32, #tpu.memory_space<vmem>>
        %dma_wait3A_103 = arith.constant 0 : i32
        %dma_wait3A_104 = tpu.memref_slice %arg7[%add3A_78, %dma_wait3A_103] : memref<10240x128xf32, #tpu.memory_space<vmem_shared>> -> memref<80x128xf32, #tpu.memory_space<vmem_shared>>
        tpu.wait_dma2 semaphore(%run_scoped3A_82 : memref<!tpu.dma_semaphore, #tpu.memory_space<semaphore_mem>>) src(%dma_wait3A_104 : memref<80x128xf32, #tpu.memory_space<vmem_shared>>) dst(%dma_wait3A_102 : memref<80x128xf32, #tpu.memory_space<vmem>>)
        tpu.yield
      }) : () -> ()
      %run_scoped3A_80 = arith.constant 0 : i32
      "tpu.region"() ({
        %run_scoped3A_82 = tpu.sem_alloc : memref<!tpu.dma_semaphore, #tpu.memory_space<semaphore_mem>>
        %dma_start3A = arith.constant 0 : i32
        %dma_start3A_83 = arith.constant 0 : i32
        %dma_start3A_84 = tpu.memref_slice %arg10[%run_scoped3A_80, %dma_start3A, %dma_start3A_83] : memref<2x80x128xf32, #tpu.memory_space<vmem>> -> memref<1x80x128xf32, #tpu.memory_space<vmem>>
        %dma_start3A_85 = tpu.memref_squeeze %dma_start3A_84 : memref<1x80x128xf32, #tpu.memory_space<vmem>> -> memref<80x128xf32, #tpu.memory_space<vmem>>
        %dma_start3A_86 = arith.constant 0 : i32
        %dma_start3A_87 = tpu.memref_slice %arg5[%arg0, %add3A_78, %dma_start3A_86] : memref<2x10240x128xf32, #tpu.memory_space<hbm>> -> memref<1x80x128xf32, #tpu.memory_space<hbm>>
        %dma_start3A_88 = tpu.memref_squeeze %dma_start3A_87 : memref<1x80x128xf32, #tpu.memory_space<hbm>> -> memref<80x128xf32, #tpu.memory_space<hbm>>
        %dma_start3A_89 = arith.constant 0 : i32
        %dma_start3A_90 = tpu.memref_slice %arg5[%arg0, %add3A_78, %dma_start3A_89] : memref<2x10240x128xf32, #tpu.memory_space<hbm>> -> memref<1x80x128xf32, #tpu.memory_space<hbm>>
        %dma_start3A_91 = tpu.memref_squeeze %dma_start3A_90 : memref<1x80x128xf32, #tpu.memory_space<hbm>> -> memref<80x128xf32, #tpu.memory_space<hbm>>
        %dma_start3A_92 = arith.constant 0 : i32
        %dma_start3A_93 = arith.constant 0 : i32
        %dma_start3A_94 = tpu.memref_slice %arg10[%run_scoped3A_80, %dma_start3A_92, %dma_start3A_93] : memref<2x80x128xf32, #tpu.memory_space<vmem>> -> memref<1x80x128xf32, #tpu.memory_space<vmem>>
        %dma_start3A_95 = tpu.memref_squeeze %dma_start3A_94 : memref<1x80x128xf32, #tpu.memory_space<vmem>> -> memref<80x128xf32, #tpu.memory_space<vmem>>
        tpu.enqueue_dma source(%dma_start3A_95 : memref<80x128xf32, #tpu.memory_space<vmem>>) target(%dma_start3A_91 : memref<80x128xf32, #tpu.memory_space<hbm>>) target_semaphore(%run_scoped3A_82 : memref<!tpu.dma_semaphore, #tpu.memory_space<semaphore_mem>>)
        %dma_wait3A = arith.constant 0 : i32
        %dma_wait3A_96 = arith.constant 0 : i32
        %dma_wait3A_97 = tpu.memref_slice %arg10[%run_scoped3A_80, %dma_wait3A, %dma_wait3A_96] : memref<2x80x128xf32, #tpu.memory_space<vmem>> -> memref<1x80x128xf32, #tpu.memory_space<vmem>>
        %dma_wait3A_98 = tpu.memref_squeeze %dma_wait3A_97 : memref<1x80x128xf32, #tpu.memory_space<vmem>> -> memref<80x128xf32, #tpu.memory_space<vmem>>
        %dma_wait3A_99 = arith.constant 0 : i32
        %dma_wait3A_100 = tpu.memref_slice %arg5[%arg0, %add3A_78, %dma_wait3A_99] : memref<2x10240x128xf32, #tpu.memory_space<hbm>> -> memref<1x80x128xf32, #tpu.memory_space<hbm>>
        %dma_wait3A_101 = tpu.memref_squeeze %dma_wait3A_100 : memref<1x80x128xf32, #tpu.memory_space<hbm>> -> memref<80x128xf32, #tpu.memory_space<hbm>>
        %dma_wait3A_102 = arith.constant 0 : i32
        %dma_wait3A_103 = tpu.memref_slice %arg5[%arg0, %add3A_78, %dma_wait3A_102] : memref<2x10240x128xf32, #tpu.memory_space<hbm>> -> memref<1x80x128xf32, #tpu.memory_space<hbm>>
        %dma_wait3A_104 = tpu.memref_squeeze %dma_wait3A_103 : memref<1x80x128xf32, #tpu.memory_space<hbm>> -> memref<80x128xf32, #tpu.memory_space<hbm>>
        %dma_wait3A_105 = arith.constant 0 : i32
        %dma_wait3A_106 = arith.constant 0 : i32
        %dma_wait3A_107 = tpu.memref_slice %arg10[%run_scoped3A_80, %dma_wait3A_105, %dma_wait3A_106] : memref<2x80x128xf32, #tpu.memory_space<vmem>> -> memref<1x80x128xf32, #tpu.memory_space<vmem>>
        %dma_wait3A_108 = tpu.memref_squeeze %dma_wait3A_107 : memref<1x80x128xf32, #tpu.memory_space<vmem>> -> memref<80x128xf32, #tpu.memory_space<vmem>>
        tpu.wait_dma2 semaphore(%run_scoped3A_82 : memref<!tpu.dma_semaphore, #tpu.memory_space<semaphore_mem>>) src(%dma_wait3A_108 : memref<80x128xf32, #tpu.memory_space<vmem>>) dst(%dma_wait3A_104 : memref<80x128xf32, #tpu.memory_space<hbm>>)
        tpu.yield
      }) : () -> ()
      %scan3A_81 = arith.constant 0 : i32
      scf.yield %scan3A_81 : i32
    }
    %scan3A_34 = arith.constant 8 : i32
    %barrier3A_35 = arith.constant 0 : index
    tpu.barrier barrier_id(%barrier3A_35)
    %scan3A_36 = arith.constant 0 : i32
    %scan3A_37 = arith.constant 0 : i32
    %scan3A_38 = arith.constant 0 : i32
    %scan3A_39 = arith.constant 640 : i32
    %scan3A_40 = arith.addi %scan3A_38, %scan3A_39 : i32
    %scan3A_41 = arith.constant 1 : i32
    %scan3A_42 = scf.for %scan3A_74 = %scan3A_38 to %scan3A_40 step %scan3A_41 iter_args(%scan3A_75 = %scan3A_37) -> (i32)  : i32 {
      %broadcast_in_dim3A = arith.constant 1.000000e+00 : f32
      %broadcast_in_dim3A_76 = vector.broadcast %broadcast_in_dim3A : f32 to vector<16xf32>
      %jit3A = arith.constant 8 : i32
      %div3A = arith.divsi %scan3A_74, %jit3A : i32
      %sign3A = arith.constant 0 : i32
      %sign3A_77 = arith.cmpi sgt, %scan3A_74, %sign3A : i32
      %sign3A_78 = arith.extui %sign3A_77 : i1 to i32
      %sign3A_79 = arith.constant 0 : i32
      %sign3A_80 = arith.cmpi slt, %scan3A_74, %sign3A_79 : i32
      %sign3A_81 = arith.extui %sign3A_80 : i1 to i32
      %sign3A_82 = arith.subi %sign3A_78, %sign3A_81 : i32
      %sign3A_83 = arith.constant 0 : i32
      %sign3A_84 = arith.cmpi sgt, %jit3A, %sign3A_83 : i32
      %sign3A_85 = arith.extui %sign3A_84 : i1 to i32
      %sign3A_86 = arith.constant 0 : i32
      %sign3A_87 = arith.cmpi slt, %jit3A, %sign3A_86 : i32
      %sign3A_88 = arith.extui %sign3A_87 : i1 to i32
      %sign3A_89 = arith.subi %sign3A_85, %sign3A_88 : i32
      %ne3A = arith.cmpi ne, %sign3A_82, %sign3A_89 : i32
      %rem3A = arith.remsi %scan3A_74, %jit3A : i32
      %ne3A_90 = arith.constant 0 : i32
      %ne3A_91 = arith.cmpi ne, %rem3A, %ne3A_90 : i32
      %and3A = arith.andi %ne3A, %ne3A_91 : i1
      %sub3A = arith.constant 1 : i32
      %sub3A_92 = arith.subi %div3A, %sub3A : i32
      %select_n3A = arith.select %and3A, %sub3A_92, %div3A : i32
      %jit3A_93 = arith.constant 8 : i32
      %eq3A = arith.constant 0 : i32
      %eq3A_94 = arith.cmpi eq, %jit3A_93, %eq3A : i32
      %jit3A_95 = arith.constant 1 : i32
      %select_n3A_96 = arith.select %eq3A_94, %jit3A_95, %jit3A_93 : i32
      %rem3A_97 = arith.remsi %scan3A_74, %select_n3A_96 : i32
      %ne3A_98 = arith.constant 0 : i32
      %ne3A_99 = arith.cmpi ne, %rem3A_97, %ne3A_98 : i32
      %lt3A = arith.constant 0 : i32
      %lt3A_100 = arith.cmpi slt, %rem3A_97, %lt3A : i32
      %lt3A_101 = arith.constant 0 : i32
      %lt3A_102 = arith.cmpi slt, %select_n3A_96, %lt3A_101 : i32
      %ne3A_103 = arith.xori %lt3A_100, %lt3A_102 : i1
      %and3A_104 = arith.andi %ne3A_103, %ne3A_99 : i1
      %add3A_105 = arith.addi %rem3A_97, %select_n3A_96 : i32
      %select_n3A_106 = arith.select %and3A_104, %add3A_105, %rem3A_97 : i32
      %mul3A_107 = arith.constant 16 : i32
      %mul3A_108 = arith.muli %select_n3A_106, %mul3A_107 : i32
      %swap3A = arith.constant 0 : i32
      %swap3A_109 = arith.constant 0 : i32
      %swap3A_110 = tpu.memref_slice %arg10[%scan3A_36, %swap3A, %swap3A_109] : memref<2x80x128xf32, #tpu.memory_space<vmem>> -> memref<1x80x128xf32, #tpu.memory_space<vmem>>
      %swap3A_111 = tpu.memref_squeeze %swap3A_110 : memref<1x80x128xf32, #tpu.memory_space<vmem>> -> memref<80x128xf32, #tpu.memory_space<vmem>>
      %swap3A_112 = arith.index_cast %select_n3A : i32 to index
      %swap3A_113 = arith.index_cast %mul3A_108 : i32 to index
      %swap3A_114 = tpu.vector_load %swap3A_111[%swap3A_112, %swap3A_113] {strides = array<i32>} : memref<80x128xf32, #tpu.memory_space<vmem>>, vector<1x16xf32>,
      %swap3A_115 = vector.shape_cast %swap3A_114 : vector<1x16xf32> to vector<16xf32>
      %swap3A_116 = vector.shape_cast %broadcast_in_dim3A_76 : vector<16xf32> to vector<1x16xf32>
      tpu.vector_store %swap3A_111[%swap3A_112, %swap3A_113], %swap3A_116 {strides = array<i32>} : memref<80x128xf32, #tpu.memory_space<vmem>>, vector<1x16xf32>,
      %scan3A_117 = arith.constant 0 : i32
      scf.yield %scan3A_117 : i32
    }
    %scan3A_43 = arith.constant 640 : i32
    %run_scoped3A_44 = arith.constant 0 : i32
    "tpu.region"() ({
      %run_scoped3A_74 = tpu.sem_alloc : memref<!tpu.dma_semaphore, #tpu.memory_space<semaphore_mem>>
      %dma_start3A = arith.constant 0 : i32
      %dma_start3A_75 = arith.constant 0 : i32
      %dma_start3A_76 = tpu.memref_slice %arg9[%run_scoped3A_44, %dma_start3A, %dma_start3A_75] : memref<2x25x80xi32, #tpu.memory_space<vmem>> -> memref<1x25x80xi32, #tpu.memory_space<vmem>>
      %dma_start3A_77 = tpu.memref_squeeze %dma_start3A_76 : memref<1x25x80xi32, #tpu.memory_space<vmem>> -> memref<25x80xi32, #tpu.memory_space<vmem>>
      %dma_start3A_78 = arith.constant 0 : i32
      %dma_start3A_79 = arith.constant 0 : i32
      %dma_start3A_80 = tpu.memref_slice %arg3[%mul3A_4, %dma_start3A_78, %dma_start3A_79] : memref<160x25x80xi32, #tpu.memory_space<hbm>> -> memref<1x25x80xi32, #tpu.memory_space<hbm>>
      %dma_start3A_81 = tpu.memref_squeeze %dma_start3A_80 : memref<1x25x80xi32, #tpu.memory_space<hbm>> -> memref<25x80xi32, #tpu.memory_space<hbm>>
      %dma_start3A_82 = arith.constant 0 : i32
      %dma_start3A_83 = arith.constant 0 : i32
      %dma_start3A_84 = tpu.memref_slice %arg9[%run_scoped3A_44, %dma_start3A_82, %dma_start3A_83] : memref<2x25x80xi32, #tpu.memory_space<vmem>> -> memref<1x25x80xi32, #tpu.memory_space<vmem>>
      %dma_start3A_85 = tpu.memref_squeeze %dma_start3A_84 : memref<1x25x80xi32, #tpu.memory_space<vmem>> -> memref<25x80xi32, #tpu.memory_space<vmem>>
      %dma_start3A_86 = arith.constant 0 : i32
      %dma_start3A_87 = arith.constant 0 : i32
      %dma_start3A_88 = tpu.memref_slice %arg3[%mul3A_4, %dma_start3A_86, %dma_start3A_87] : memref<160x25x80xi32, #tpu.memory_space<hbm>> -> memref<1x25x80xi32, #tpu.memory_space<hbm>>
      %dma_start3A_89 = tpu.memref_squeeze %dma_start3A_88 : memref<1x25x80xi32, #tpu.memory_space<hbm>> -> memref<25x80xi32, #tpu.memory_space<hbm>>
      tpu.enqueue_dma source(%dma_start3A_89 : memref<25x80xi32, #tpu.memory_space<hbm>>) target(%dma_start3A_85 : memref<25x80xi32, #tpu.memory_space<vmem>>) target_semaphore(%run_scoped3A_74 : memref<!tpu.dma_semaphore, #tpu.memory_space<semaphore_mem>>)
      %dma_wait3A = arith.constant 0 : i32
      %dma_wait3A_90 = arith.constant 0 : i32
      %dma_wait3A_91 = tpu.memref_slice %arg9[%run_scoped3A_44, %dma_wait3A, %dma_wait3A_90] : memref<2x25x80xi32, #tpu.memory_space<vmem>> -> memref<1x25x80xi32, #tpu.memory_space<vmem>>
      %dma_wait3A_92 = tpu.memref_squeeze %dma_wait3A_91 : memref<1x25x80xi32, #tpu.memory_space<vmem>> -> memref<25x80xi32, #tpu.memory_space<vmem>>
      %dma_wait3A_93 = arith.constant 0 : i32
      %dma_wait3A_94 = arith.constant 0 : i32
      %dma_wait3A_95 = tpu.memref_slice %arg3[%mul3A_4, %dma_wait3A_93, %dma_wait3A_94] : memref<160x25x80xi32, #tpu.memory_space<hbm>> -> memref<1x25x80xi32, #tpu.memory_space<hbm>>
      %dma_wait3A_96 = tpu.memref_squeeze %dma_wait3A_95 : memref<1x25x80xi32, #tpu.memory_space<hbm>> -> memref<25x80xi32, #tpu.memory_space<hbm>>
      %dma_wait3A_97 = arith.constant 0 : i32
      %dma_wait3A_98 = arith.constant 0 : i32
      %dma_wait3A_99 = tpu.memref_slice %arg9[%run_scoped3A_44, %dma_wait3A_97, %dma_wait3A_98] : memref<2x25x80xi32, #tpu.memory_space<vmem>> -> memref<1x25x80xi32, #tpu.memory_space<vmem>>
      %dma_wait3A_100 = tpu.memref_squeeze %dma_wait3A_99 : memref<1x25x80xi32, #tpu.memory_space<vmem>> -> memref<25x80xi32, #tpu.memory_space<vmem>>
      %dma_wait3A_101 = arith.constant 0 : i32
      %dma_wait3A_102 = arith.constant 0 : i32
      %dma_wait3A_103 = tpu.memref_slice %arg3[%mul3A_4, %dma_wait3A_101, %dma_wait3A_102] : memref<160x25x80xi32, #tpu.memory_space<hbm>> -> memref<1x25x80xi32, #tpu.memory_space<hbm>>
      %dma_wait3A_104 = tpu.memref_squeeze %dma_wait3A_103 : memref<1x25x80xi32, #tpu.memory_space<hbm>> -> memref<25x80xi32, #tpu.memory_space<hbm>>
      tpu.wait_dma2 semaphore(%run_scoped3A_74 : memref<!tpu.dma_semaphore, #tpu.memory_space<semaphore_mem>>) src(%dma_wait3A_104 : memref<25x80xi32, #tpu.memory_space<hbm>>) dst(%dma_wait3A_100 : memref<25x80xi32, #tpu.memory_space<vmem>>)
      tpu.yield
    }) : () -> ()
    %scan3A_45 = arith.constant 0 : i32
    %scan3A_46 = arith.constant 0 : i32
    %scan3A_47 = arith.constant 25 : i32
    %scan3A_48 = arith.addi %scan3A_46, %scan3A_47 : i32
    %scan3A_49 = arith.constant 1 : i32
    %scan3A_50 = scf.for %scan3A_74 = %scan3A_46 to %scan3A_48 step %scan3A_49 iter_args(%scan3A_75 = %scan3A_45) -> (i32)  : i32 {
      %dma_start3A = arith.constant 0 : i32
      %dma_start3A_76 = arith.constant 0 : i32
      %dma_start3A_77 = arith.constant 0 : i32
      %dma_start3A_78 = arith.constant 0 : i32
      %dma_start3A_79 = tpu.memref_slice %arg10[%dma_start3A, %dma_start3A_77, %dma_start3A_78] : memref<2x80x128xf32, #tpu.memory_space<vmem>> -> memref<1x80x128xf32, #tpu.memory_space<vmem>>
      %dma_start3A_80 = tpu.memref_squeeze %dma_start3A_79 : memref<1x80x128xf32, #tpu.memory_space<vmem>> -> memref<80x128xf32, #tpu.memory_space<vmem>>
      %dma_start3A_81 = arith.constant 0 : i32
      %dma_start3A_82 = tpu.memref_slice %arg9[%dma_start3A_76, %scan3A_74, %dma_start3A_81] : memref<2x25x80xi32, #tpu.memory_space<vmem>> -> memref<1x1x80xi32, #tpu.memory_space<vmem>>
      %dma_start3A_83 = tpu.memref_squeeze %dma_start3A_82 : memref<1x1x80xi32, #tpu.memory_space<vmem>> -> memref<80xi32, #tpu.memory_space<vmem>>
      %dma_start3A_84 = arith.constant 0 : i32
      %dma_start3A_85 = arith.constant 0 : i32
      %dma_start3A_86 = tpu.memref_slice %arg7[%dma_start3A_84, %dma_start3A_85] : memref<10240x128xf32, #tpu.memory_space<vmem_shared>> -> memref<10240x128xf32, #tpu.memory_space<vmem_shared>>
      tpu.enqueue_indirect_dma source(%dma_start3A_80 : memref<80x128xf32, #tpu.memory_space<vmem>>) target(%dma_start3A_86 : memref<10240x128xf32, #tpu.memory_space<vmem_shared>>) offsets(%dma_start3A_83 : memref<80xi32, #tpu.memory_space<vmem>>) semaphore(%arg12 : memref<!tpu.dma_semaphore, #tpu.memory_space<semaphore_mem>>) {add = true}
      %scan3A_87 = arith.constant 0 : i32
      scf.yield %scan3A_87 : i32
    }
    %scan3A_51 = arith.constant 25 : i32
    %scan3A_52 = arith.constant 0 : i32
    %scan3A_53 = arith.constant 1 : i32
    %scan3A_54 = arith.constant 4 : i32
    %scan3A_55 = arith.addi %scan3A_53, %scan3A_54 : i32
    %scan3A_56 = arith.constant 1 : i32
    %scan3A_57 = scf.for %scan3A_74 = %scan3A_53 to %scan3A_55 step %scan3A_56 iter_args(%scan3A_75 = %scan3A_52) -> (i32)  : i32 {
      %rem3A = arith.constant 2 : i32
      %rem3A_76 = arith.remsi %scan3A_74, %rem3A : i32
      %add3A_77 = arith.addi %mul3A_4, %scan3A_74 : i32
      "tpu.region"() ({
        %run_scoped3A_94 = tpu.sem_alloc : memref<!tpu.dma_semaphore, #tpu.memory_space<semaphore_mem>>
        %dma_start3A = arith.constant 0 : i32
        %dma_start3A_95 = arith.constant 0 : i32
        %dma_start3A_96 = tpu.memref_slice %arg9[%rem3A_76, %dma_start3A, %dma_start3A_95] : memref<2x25x80xi32, #tpu.memory_space<vmem>> -> memref<1x25x80xi32, #tpu.memory_space<vmem>>
        %dma_start3A_97 = tpu.memref_squeeze %dma_start3A_96 : memref<1x25x80xi32, #tpu.memory_space<vmem>> -> memref<25x80xi32, #tpu.memory_space<vmem>>
        %dma_start3A_98 = arith.constant 0 : i32
        %dma_start3A_99 = arith.constant 0 : i32
        %dma_start3A_100 = tpu.memref_slice %arg3[%add3A_77, %dma_start3A_98, %dma_start3A_99] : memref<160x25x80xi32, #tpu.memory_space<hbm>> -> memref<1x25x80xi32, #tpu.memory_space<hbm>>
        %dma_start3A_101 = tpu.memref_squeeze %dma_start3A_100 : memref<1x25x80xi32, #tpu.memory_space<hbm>> -> memref<25x80xi32, #tpu.memory_space<hbm>>
        %dma_start3A_102 = arith.constant 0 : i32
        %dma_start3A_103 = arith.constant 0 : i32
        %dma_start3A_104 = tpu.memref_slice %arg9[%rem3A_76, %dma_start3A_102, %dma_start3A_103] : memref<2x25x80xi32, #tpu.memory_space<vmem>> -> memref<1x25x80xi32, #tpu.memory_space<vmem>>
        %dma_start3A_105 = tpu.memref_squeeze %dma_start3A_104 : memref<1x25x80xi32, #tpu.memory_space<vmem>> -> memref<25x80xi32, #tpu.memory_space<vmem>>
        %dma_start3A_106 = arith.constant 0 : i32
        %dma_start3A_107 = arith.constant 0 : i32
        %dma_start3A_108 = tpu.memref_slice %arg3[%add3A_77, %dma_start3A_106, %dma_start3A_107] : memref<160x25x80xi32, #tpu.memory_space<hbm>> -> memref<1x25x80xi32, #tpu.memory_space<hbm>>
        %dma_start3A_109 = tpu.memref_squeeze %dma_start3A_108 : memref<1x25x80xi32, #tpu.memory_space<hbm>> -> memref<25x80xi32, #tpu.memory_space<hbm>>
        tpu.enqueue_dma source(%dma_start3A_109 : memref<25x80xi32, #tpu.memory_space<hbm>>) target(%dma_start3A_105 : memref<25x80xi32, #tpu.memory_space<vmem>>) target_semaphore(%run_scoped3A_94 : memref<!tpu.dma_semaphore, #tpu.memory_space<semaphore_mem>>)
        %dma_wait3A = arith.constant 0 : i32
        %dma_wait3A_110 = arith.constant 0 : i32
        %dma_wait3A_111 = tpu.memref_slice %arg9[%rem3A_76, %dma_wait3A, %dma_wait3A_110] : memref<2x25x80xi32, #tpu.memory_space<vmem>> -> memref<1x25x80xi32, #tpu.memory_space<vmem>>
        %dma_wait3A_112 = tpu.memref_squeeze %dma_wait3A_111 : memref<1x25x80xi32, #tpu.memory_space<vmem>> -> memref<25x80xi32, #tpu.memory_space<vmem>>
        %dma_wait3A_113 = arith.constant 0 : i32
        %dma_wait3A_114 = arith.constant 0 : i32
        %dma_wait3A_115 = tpu.memref_slice %arg3[%add3A_77, %dma_wait3A_113, %dma_wait3A_114] : memref<160x25x80xi32, #tpu.memory_space<hbm>> -> memref<1x25x80xi32, #tpu.memory_space<hbm>>
        %dma_wait3A_116 = tpu.memref_squeeze %dma_wait3A_115 : memref<1x25x80xi32, #tpu.memory_space<hbm>> -> memref<25x80xi32, #tpu.memory_space<hbm>>
        %dma_wait3A_117 = arith.constant 0 : i32
        %dma_wait3A_118 = arith.constant 0 : i32
        %dma_wait3A_119 = tpu.memref_slice %arg9[%rem3A_76, %dma_wait3A_117, %dma_wait3A_118] : memref<2x25x80xi32, #tpu.memory_space<vmem>> -> memref<1x25x80xi32, #tpu.memory_space<vmem>>
        %dma_wait3A_120 = tpu.memref_squeeze %dma_wait3A_119 : memref<1x25x80xi32, #tpu.memory_space<vmem>> -> memref<25x80xi32, #tpu.memory_space<vmem>>
        %dma_wait3A_121 = arith.constant 0 : i32
        %dma_wait3A_122 = arith.constant 0 : i32
        %dma_wait3A_123 = tpu.memref_slice %arg3[%add3A_77, %dma_wait3A_121, %dma_wait3A_122] : memref<160x25x80xi32, #tpu.memory_space<hbm>> -> memref<1x25x80xi32, #tpu.memory_space<hbm>>
        %dma_wait3A_124 = tpu.memref_squeeze %dma_wait3A_123 : memref<1x25x80xi32, #tpu.memory_space<hbm>> -> memref<25x80xi32, #tpu.memory_space<hbm>>
        tpu.wait_dma2 semaphore(%run_scoped3A_94 : memref<!tpu.dma_semaphore, #tpu.memory_space<semaphore_mem>>) src(%dma_wait3A_124 : memref<25x80xi32, #tpu.memory_space<hbm>>) dst(%dma_wait3A_120 : memref<25x80xi32, #tpu.memory_space<vmem>>)
        tpu.yield
      }) : () -> ()
      %scan3A_78 = arith.constant 0 : i32
      %scan3A_79 = arith.constant 0 : i32
      %scan3A_80 = arith.constant 25 : i32
      %scan3A_81 = arith.addi %scan3A_79, %scan3A_80 : i32
      %scan3A_82 = arith.constant 1 : i32
      %scan3A_83 = scf.for %scan3A_94 = %scan3A_79 to %scan3A_81 step %scan3A_82 iter_args(%scan3A_95 = %scan3A_78) -> (i32)  : i32 {
        %dma_start3A = arith.constant 0 : i32
        %dma_start3A_96 = arith.constant 0 : i32
        %dma_start3A_97 = arith.constant 0 : i32
        %dma_start3A_98 = tpu.memref_slice %arg10[%dma_start3A, %dma_start3A_96, %dma_start3A_97] : memref<2x80x128xf32, #tpu.memory_space<vmem>> -> memref<1x80x128xf32, #tpu.memory_space<vmem>>
        %dma_start3A_99 = tpu.memref_squeeze %dma_start3A_98 : memref<1x80x128xf32, #tpu.memory_space<vmem>> -> memref<80x128xf32, #tpu.memory_space<vmem>>
        %dma_start3A_100 = arith.constant 0 : i32
        %dma_start3A_101 = tpu.memref_slice %arg9[%rem3A_76, %scan3A_94, %dma_start3A_100] : memref<2x25x80xi32, #tpu.memory_space<vmem>> -> memref<1x1x80xi32, #tpu.memory_space<vmem>>
        %dma_start3A_102 = tpu.memref_squeeze %dma_start3A_101 : memref<1x1x80xi32, #tpu.memory_space<vmem>> -> memref<80xi32, #tpu.memory_space<vmem>>
        %dma_start3A_103 = arith.constant 0 : i32
        %dma_start3A_104 = arith.constant 0 : i32
        %dma_start3A_105 = tpu.memref_slice %arg7[%dma_start3A_103, %dma_start3A_104] : memref<10240x128xf32, #tpu.memory_space<vmem_shared>> -> memref<10240x128xf32, #tpu.memory_space<vmem_shared>>
        tpu.enqueue_indirect_dma source(%dma_start3A_99 : memref<80x128xf32, #tpu.memory_space<vmem>>) target(%dma_start3A_105 : memref<10240x128xf32, #tpu.memory_space<vmem_shared>>) offsets(%dma_start3A_102 : memref<80xi32, #tpu.memory_space<vmem>>) semaphore(%arg12 : memref<!tpu.dma_semaphore, #tpu.memory_space<semaphore_mem>>) {add = true}
        %scan3A_106 = arith.constant 0 : i32
        scf.yield %scan3A_106 : i32
      }
      %scan3A_84 = arith.constant 25 : i32
      %sub3A = arith.constant 1 : i32
      %sub3A_85 = arith.subi %sub3A, %rem3A_76 : i32
      %scan3A_86 = arith.constant 0 : i32
      %scan3A_87 = arith.constant 0 : i32
      %scan3A_88 = arith.constant 25 : i32
      %scan3A_89 = arith.addi %scan3A_87, %scan3A_88 : i32
      %scan3A_90 = arith.constant 1 : i32
      %scan3A_91 = scf.for %scan3A_94 = %scan3A_87 to %scan3A_89 step %scan3A_90 iter_args(%scan3A_95 = %scan3A_86) -> (i32)  : i32 {
        %dma_wait3A = arith.constant 0 : i32
        %dma_wait3A_96 = arith.constant 0 : i32
        %dma_wait3A_97 = arith.constant 0 : i32
        %dma_wait3A_98 = tpu.memref_slice %arg10[%dma_wait3A, %dma_wait3A_96, %dma_wait3A_97] : memref<2x80x128xf32, #tpu.memory_space<vmem>> -> memref<1x80x128xf32, #tpu.memory_space<vmem>>
        %dma_wait3A_99 = tpu.memref_squeeze %dma_wait3A_98 : memref<1x80x128xf32, #tpu.memory_space<vmem>> -> memref<80x128xf32, #tpu.memory_space<vmem>>
        %dma_wait3A_100 = arith.constant 0 : i32
        %dma_wait3A_101 = tpu.memref_slice %arg9[%sub3A_85, %scan3A_94, %dma_wait3A_100] : memref<2x25x80xi32, #tpu.memory_space<vmem>> -> memref<1x1x80xi32, #tpu.memory_space<vmem>>
        %dma_wait3A_102 = tpu.memref_squeeze %dma_wait3A_101 : memref<1x1x80xi32, #tpu.memory_space<vmem>> -> memref<80xi32, #tpu.memory_space<vmem>>
        %dma_wait3A_103 = arith.constant 0 : i32
        %dma_wait3A_104 = arith.constant 0 : i32
        %dma_wait3A_105 = tpu.memref_slice %arg7[%dma_wait3A_103, %dma_wait3A_104] : memref<10240x128xf32, #tpu.memory_space<vmem_shared>> -> memref<10240x128xf32, #tpu.memory_space<vmem_shared>>
        tpu.wait_indirect_dma semaphore(%arg12 : memref<!tpu.dma_semaphore, #tpu.memory_space<semaphore_mem>>) src(%dma_wait3A_99 : memref<80x128xf32, #tpu.memory_space<vmem>>) dst(%dma_wait3A_105 : memref<10240x128xf32, #tpu.memory_space<vmem_shared>>)
        %scan3A_106 = arith.constant 0 : i32
        scf.yield %scan3A_106 : i32
      }
      %scan3A_92 = arith.constant 25 : i32
      %scan3A_93 = arith.constant 0 : i32
      scf.yield %scan3A_93 : i32
    }
    %scan3A_58 = arith.constant 4 : i32
    %scan3A_59 = arith.constant 0 : i32
    %scan3A_60 = arith.constant 0 : i32
    %scan3A_61 = arith.constant 25 : i32
    %scan3A_62 = arith.addi %scan3A_60, %scan3A_61 : i32
    %scan3A_63 = arith.constant 1 : i32
    %scan3A_64 = scf.for %scan3A_74 = %scan3A_60 to %scan3A_62 step %scan3A_63 iter_args(%scan3A_75 = %scan3A_59) -> (i32)  : i32 {
      %dma_wait3A = arith.constant 0 : i32
      %dma_wait3A_76 = arith.constant 0 : i32
      %dma_wait3A_77 = arith.constant 0 : i32
      %dma_wait3A_78 = arith.constant 0 : i32
      %dma_wait3A_79 = tpu.memref_slice %arg10[%dma_wait3A, %dma_wait3A_77, %dma_wait3A_78] : memref<2x80x128xf32, #tpu.memory_space<vmem>> -> memref<1x80x128xf32, #tpu.memory_space<vmem>>
      %dma_wait3A_80 = tpu.memref_squeeze %dma_wait3A_79 : memref<1x80x128xf32, #tpu.memory_space<vmem>> -> memref<80x128xf32, #tpu.memory_space<vmem>>
      %dma_wait3A_81 = arith.constant 0 : i32
      %dma_wait3A_82 = tpu.memref_slice %arg9[%dma_wait3A_76, %scan3A_74, %dma_wait3A_81] : memref<2x25x80xi32, #tpu.memory_space<vmem>> -> memref<1x1x80xi32, #tpu.memory_space<vmem>>
      %dma_wait3A_83 = tpu.memref_squeeze %dma_wait3A_82 : memref<1x1x80xi32, #tpu.memory_space<vmem>> -> memref<80xi32, #tpu.memory_space<vmem>>
      %dma_wait3A_84 = arith.constant 0 : i32
      %dma_wait3A_85 = arith.constant 0 : i32
      %dma_wait3A_86 = tpu.memref_slice %arg7[%dma_wait3A_84, %dma_wait3A_85] : memref<10240x128xf32, #tpu.memory_space<vmem_shared>> -> memref<10240x128xf32, #tpu.memory_space<vmem_shared>>
      tpu.wait_indirect_dma semaphore(%arg12 : memref<!tpu.dma_semaphore, #tpu.memory_space<semaphore_mem>>) src(%dma_wait3A_80 : memref<80x128xf32, #tpu.memory_space<vmem>>) dst(%dma_wait3A_86 : memref<10240x128xf32, #tpu.memory_space<vmem_shared>>)
      %scan3A_87 = arith.constant 0 : i32
      scf.yield %scan3A_87 : i32
    }
    %scan3A_65 = arith.constant 25 : i32
    %barrier3A_66 = arith.constant 0 : index
    tpu.barrier barrier_id(%barrier3A_66)
    %scan3A_67 = arith.constant 0 : i32
    %scan3A_68 = arith.constant 0 : i32
    %scan3A_69 = arith.constant 8 : i32
    %scan3A_70 = arith.addi %scan3A_68, %scan3A_69 : i32
    %scan3A_71 = arith.constant 1 : i32
    %scan3A_72 = scf.for %scan3A_74 = %scan3A_68 to %scan3A_70 step %scan3A_71 iter_args(%scan3A_75 = %scan3A_67) -> (i32)  : i32 {
      %mul3A_76 = arith.constant 80 : i32
      %mul3A_77 = arith.muli %scan3A_74, %mul3A_76 : i32
      %add3A_78 = arith.addi %mul3A_2, %mul3A_77 : i32
      %run_scoped3A_79 = arith.constant 0 : i32
      "tpu.region"() ({
        %run_scoped3A_82 = tpu.sem_alloc : memref<!tpu.dma_semaphore, #tpu.memory_space<semaphore_mem>>
        %dma_start3A = arith.constant 0 : i32
        %dma_start3A_83 = arith.constant 0 : i32
        %dma_start3A_84 = tpu.memref_slice %arg10[%run_scoped3A_79, %dma_start3A, %dma_start3A_83] : memref<2x80x128xf32, #tpu.memory_space<vmem>> -> memref<1x80x128xf32, #tpu.memory_space<vmem>>
        %dma_start3A_85 = tpu.memref_squeeze %dma_start3A_84 : memref<1x80x128xf32, #tpu.memory_space<vmem>> -> memref<80x128xf32, #tpu.memory_space<vmem>>
        %dma_start3A_86 = arith.constant 0 : i32
        %dma_start3A_87 = tpu.memref_slice %arg7[%add3A_78, %dma_start3A_86] : memref<10240x128xf32, #tpu.memory_space<vmem_shared>> -> memref<80x128xf32, #tpu.memory_space<vmem_shared>>
        %dma_start3A_88 = arith.constant 0 : i32
        %dma_start3A_89 = arith.constant 0 : i32
        %dma_start3A_90 = tpu.memref_slice %arg10[%run_scoped3A_79, %dma_start3A_88, %dma_start3A_89] : memref<2x80x128xf32, #tpu.memory_space<vmem>> -> memref<1x80x128xf32, #tpu.memory_space<vmem>>
        %dma_start3A_91 = tpu.memref_squeeze %dma_start3A_90 : memref<1x80x128xf32, #tpu.memory_space<vmem>> -> memref<80x128xf32, #tpu.memory_space<vmem>>
        %dma_start3A_92 = arith.constant 0 : i32
        %dma_start3A_93 = tpu.memref_slice %arg7[%add3A_78, %dma_start3A_92] : memref<10240x128xf32, #tpu.memory_space<vmem_shared>> -> memref<80x128xf32, #tpu.memory_space<vmem_shared>>
        tpu.enqueue_dma source(%dma_start3A_93 : memref<80x128xf32, #tpu.memory_space<vmem_shared>>) target(%dma_start3A_91 : memref<80x128xf32, #tpu.memory_space<vmem>>) target_semaphore(%run_scoped3A_82 : memref<!tpu.dma_semaphore, #tpu.memory_space<semaphore_mem>>)
        %dma_wait3A = arith.constant 0 : i32
        %dma_wait3A_94 = arith.constant 0 : i32
        %dma_wait3A_95 = tpu.memref_slice %arg10[%run_scoped3A_79, %dma_wait3A, %dma_wait3A_94] : memref<2x80x128xf32, #tpu.memory_space<vmem>> -> memref<1x80x128xf32, #tpu.memory_space<vmem>>
        %dma_wait3A_96 = tpu.memref_squeeze %dma_wait3A_95 : memref<1x80x128xf32, #tpu.memory_space<vmem>> -> memref<80x128xf32, #tpu.memory_space<vmem>>
        %dma_wait3A_97 = arith.constant 0 : i32
        %dma_wait3A_98 = tpu.memref_slice %arg7[%add3A_78, %dma_wait3A_97] : memref<10240x128xf32, #tpu.memory_space<vmem_shared>> -> memref<80x128xf32, #tpu.memory_space<vmem_shared>>
        %dma_wait3A_99 = arith.constant 0 : i32
        %dma_wait3A_100 = arith.constant 0 : i32
        %dma_wait3A_101 = tpu.memref_slice %arg10[%run_scoped3A_79, %dma_wait3A_99, %dma_wait3A_100] : memref<2x80x128xf32, #tpu.memory_space<vmem>> -> memref<1x80x128xf32, #tpu.memory_space<vmem>>
        %dma_wait3A_102 = tpu.memref_squeeze %dma_wait3A_101 : memref<1x80x128xf32, #tpu.memory_space<vmem>> -> memref<80x128xf32, #tpu.memory_space<vmem>>
        %dma_wait3A_103 = arith.constant 0 : i32
        %dma_wait3A_104 = tpu.memref_slice %arg7[%add3A_78, %dma_wait3A_103] : memref<10240x128xf32, #tpu.memory_space<vmem_shared>> -> memref<80x128xf32, #tpu.memory_space<vmem_shared>>
        tpu.wait_dma2 semaphore(%run_scoped3A_82 : memref<!tpu.dma_semaphore, #tpu.memory_space<semaphore_mem>>) src(%dma_wait3A_104 : memref<80x128xf32, #tpu.memory_space<vmem_shared>>) dst(%dma_wait3A_102 : memref<80x128xf32, #tpu.memory_space<vmem>>)
        tpu.yield
      }) : () -> ()
      %run_scoped3A_80 = arith.constant 0 : i32
      "tpu.region"() ({
        %run_scoped3A_82 = tpu.sem_alloc : memref<!tpu.dma_semaphore, #tpu.memory_space<semaphore_mem>>
        %dma_start3A = arith.constant 0 : i32
        %dma_start3A_83 = arith.constant 0 : i32
        %dma_start3A_84 = tpu.memref_slice %arg10[%run_scoped3A_80, %dma_start3A, %dma_start3A_83] : memref<2x80x128xf32, #tpu.memory_space<vmem>> -> memref<1x80x128xf32, #tpu.memory_space<vmem>>
        %dma_start3A_85 = tpu.memref_squeeze %dma_start3A_84 : memref<1x80x128xf32, #tpu.memory_space<vmem>> -> memref<80x128xf32, #tpu.memory_space<vmem>>
        %dma_start3A_86 = arith.constant 0 : i32
        %dma_start3A_87 = tpu.memref_slice %arg6[%arg0, %add3A_78, %dma_start3A_86] : memref<2x10240x128xf32, #tpu.memory_space<hbm>> -> memref<1x80x128xf32, #tpu.memory_space<hbm>>
        %dma_start3A_88 = tpu.memref_squeeze %dma_start3A_87 : memref<1x80x128xf32, #tpu.memory_space<hbm>> -> memref<80x128xf32, #tpu.memory_space<hbm>>
        %dma_start3A_89 = arith.constant 0 : i32
        %dma_start3A_90 = tpu.memref_slice %arg6[%arg0, %add3A_78, %dma_start3A_89] : memref<2x10240x128xf32, #tpu.memory_space<hbm>> -> memref<1x80x128xf32, #tpu.memory_space<hbm>>
        %dma_start3A_91 = tpu.memref_squeeze %dma_start3A_90 : memref<1x80x128xf32, #tpu.memory_space<hbm>> -> memref<80x128xf32, #tpu.memory_space<hbm>>
        %dma_start3A_92 = arith.constant 0 : i32
        %dma_start3A_93 = arith.constant 0 : i32
        %dma_start3A_94 = tpu.memref_slice %arg10[%run_scoped3A_80, %dma_start3A_92, %dma_start3A_93] : memref<2x80x128xf32, #tpu.memory_space<vmem>> -> memref<1x80x128xf32, #tpu.memory_space<vmem>>
        %dma_start3A_95 = tpu.memref_squeeze %dma_start3A_94 : memref<1x80x128xf32, #tpu.memory_space<vmem>> -> memref<80x128xf32, #tpu.memory_space<vmem>>
        tpu.enqueue_dma source(%dma_start3A_95 : memref<80x128xf32, #tpu.memory_space<vmem>>) target(%dma_start3A_91 : memref<80x128xf32, #tpu.memory_space<hbm>>) target_semaphore(%run_scoped3A_82 : memref<!tpu.dma_semaphore, #tpu.memory_space<semaphore_mem>>)
        %dma_wait3A = arith.constant 0 : i32
        %dma_wait3A_96 = arith.constant 0 : i32
        %dma_wait3A_97 = tpu.memref_slice %arg10[%run_scoped3A_80, %dma_wait3A, %dma_wait3A_96] : memref<2x80x128xf32, #tpu.memory_space<vmem>> -> memref<1x80x128xf32, #tpu.memory_space<vmem>>
        %dma_wait3A_98 = tpu.memref_squeeze %dma_wait3A_97 : memref<1x80x128xf32, #tpu.memory_space<vmem>> -> memref<80x128xf32, #tpu.memory_space<vmem>>
        %dma_wait3A_99 = arith.constant 0 : i32
        %dma_wait3A_100 = tpu.memref_slice %arg6[%arg0, %add3A_78, %dma_wait3A_99] : memref<2x10240x128xf32, #tpu.memory_space<hbm>> -> memref<1x80x128xf32, #tpu.memory_space<hbm>>
        %dma_wait3A_101 = tpu.memref_squeeze %dma_wait3A_100 : memref<1x80x128xf32, #tpu.memory_space<hbm>> -> memref<80x128xf32, #tpu.memory_space<hbm>>
        %dma_wait3A_102 = arith.constant 0 : i32
        %dma_wait3A_103 = tpu.memref_slice %arg6[%arg0, %add3A_78, %dma_wait3A_102] : memref<2x10240x128xf32, #tpu.memory_space<hbm>> -> memref<1x80x128xf32, #tpu.memory_space<hbm>>
        %dma_wait3A_104 = tpu.memref_squeeze %dma_wait3A_103 : memref<1x80x128xf32, #tpu.memory_space<hbm>> -> memref<80x128xf32, #tpu.memory_space<hbm>>
        %dma_wait3A_105 = arith.constant 0 : i32
        %dma_wait3A_106 = arith.constant 0 : i32
        %dma_wait3A_107 = tpu.memref_slice %arg10[%run_scoped3A_80, %dma_wait3A_105, %dma_wait3A_106] : memref<2x80x128xf32, #tpu.memory_space<vmem>> -> memref<1x80x128xf32, #tpu.memory_space<vmem>>
        %dma_wait3A_108 = tpu.memref_squeeze %dma_wait3A_107 : memref<1x80x128xf32, #tpu.memory_space<vmem>> -> memref<80x128xf32, #tpu.memory_space<vmem>>
        tpu.wait_dma2 semaphore(%run_scoped3A_82 : memref<!tpu.dma_semaphore, #tpu.memory_space<semaphore_mem>>) src(%dma_wait3A_108 : memref<80x128xf32, #tpu.memory_space<vmem>>) dst(%dma_wait3A_104 : memref<80x128xf32, #tpu.memory_space<hbm>>)
        tpu.yield
      }) : () -> ()
      %scan3A_81 = arith.constant 0 : i32
      scf.yield %scan3A_81 : i32
    }
    %scan3A_73 = arith.constant 8 : i32
    return
  }
}

module attributes {stable_mosaic.version = 14 : i64} {
  func.func @_tc_finish(%arg0: i32, %arg1: memref<2x1280x128xf32, #tpu.memory_space<vmem>>, %arg2: memref<2x1280x128xf32, #tpu.memory_space<vmem>>, %arg3: memref<128x128xf32, #tpu.memory_space<vmem>>, %arg4: memref<1x128xf32, #tpu.memory_space<vmem>>, %arg5: memref<1280x128xf32, #tpu.memory_space<vmem>>) attributes {dimension_semantics = [#tpu.dimension_semantics<arbitrary>], iteration_bounds = array<i64: 8>, scalar_prefetch = 0 : i64, scratch_operands = 0 : i64, tpu.core_type = #tpu.core_type<tc>, window_params = [{transform_indices = @transform_0, window_bounds = array<i64: 2, 1280, 128>}, {transform_indices = @transform_1, window_bounds = array<i64: 2, 1280, 128>}, {pipeline_mode = #tpu.pipeline_mode<synchronous>, transform_indices = @transform_2, window_bounds = array<i64: 128, 128>}, {pipeline_mode = #tpu.pipeline_mode<synchronous>, transform_indices = @transform_3, window_bounds = array<i64: 1, 128>}, {transform_indices = @transform_4, window_bounds = array<i64: 1280, 128>}]} {
    %get3A = arith.constant 0 : index
    %get3A_0 = arith.constant 0 : index
    %get3A_1 = arith.constant 0 : index
    %get3A_2 = vector.load %arg1[%get3A, %get3A_0, %get3A_1] : memref<2x1280x128xf32, #tpu.memory_space<vmem>>, vector<1x1280x128xf32>
    %get3A_3 = vector.shape_cast %get3A_2 : vector<1x1280x128xf32> to vector<1280x128xf32>
    %get3A_4 = arith.constant 1 : index
    %get3A_5 = arith.constant 0 : index
    %get3A_6 = arith.constant 0 : index
    %get3A_7 = vector.load %arg1[%get3A_4, %get3A_5, %get3A_6] : memref<2x1280x128xf32, #tpu.memory_space<vmem>>, vector<1x1280x128xf32>
    %get3A_8 = vector.shape_cast %get3A_7 : vector<1x1280x128xf32> to vector<1280x128xf32>
    %add3A = arith.addf %get3A_3, %get3A_8 : vector<1280x128xf32>
    %get3A_9 = arith.constant 0 : index
    %get3A_10 = arith.constant 0 : index
    %get3A_11 = arith.constant 0 : index
    %get3A_12 = vector.load %arg2[%get3A_9, %get3A_10, %get3A_11] : memref<2x1280x128xf32, #tpu.memory_space<vmem>>, vector<1x1280x1xf32>
    %get3A_13 = vector.shape_cast %get3A_12 : vector<1x1280x1xf32> to vector<1280x1xf32>
    %get3A_14 = arith.constant 1 : index
    %get3A_15 = arith.constant 0 : index
    %get3A_16 = arith.constant 0 : index
    %get3A_17 = vector.load %arg2[%get3A_14, %get3A_15, %get3A_16] : memref<2x1280x128xf32, #tpu.memory_space<vmem>>, vector<1x1280x1xf32>
    %get3A_18 = vector.shape_cast %get3A_17 : vector<1x1280x1xf32> to vector<1280x1xf32>
    %add3A_19 = arith.addf %get3A_13, %get3A_18 : vector<1280x1xf32>
    %slice3A = vector.extract_strided_slice %add3A {offsets = [0, 0], sizes = [1280, 1], strides = [1, 1]} : vector<1280x128xf32> to vector<1280x1xf32>
    %sub3A = arith.subf %add3A_19, %slice3A : vector<1280x1xf32>
    %round3A = math.roundeven %sub3A : vector<1280x1xf32>
    %gt3A = arith.constant 0.000000e+00 : f32
    %gt3A_20 = vector.broadcast %gt3A : f32 to vector<1280x1xf32>
    %gt3A_21 = arith.cmpf ogt, %round3A, %gt3A_20 : vector<1280x1xf32>
    %max3A = arith.constant 1.000000e+00 : f32
    %max3A_22 = vector.broadcast %max3A : f32 to vector<1280x1xf32>
    %max3A_23 = arith.maximumf %round3A, %max3A_22 : vector<1280x1xf32>
    %div3A = vector.broadcast %max3A_23 : vector<1280x1xf32> to vector<1280x128xf32>
    %div3A_24 = arith.divf %add3A, %div3A : vector<1280x128xf32>
    %jit3A = arith.constant 0.000000e+00 : f32
    %broadcast_in_dim3A = vector.shape_cast %gt3A_21 : vector<1280x1xi1> to vector<1280x1xi1>
    %broadcast_in_dim3A_25 = vector.broadcast %broadcast_in_dim3A : vector<1280x1xi1> to vector<1280x128xi1>
    %broadcast_in_dim3A_26 = vector.broadcast %jit3A : f32 to vector<1280x128xf32>
    %select_n3A = arith.select %broadcast_in_dim3A_25, %div3A_24, %broadcast_in_dim3A_26 : vector<1280x128xi1>, vector<1280x128xf32>
    %get3A_27 = arith.constant 0 : index
    %get3A_28 = arith.constant 0 : index
    %get3A_29 = vector.load %arg3[%get3A_27, %get3A_28] : memref<128x128xf32, #tpu.memory_space<vmem>>, vector<128x128xf32>
    %dot_general3A = arith.constant dense<0.000000e+00> : vector<1280x128xf32>
    %dot_general3A_30 = tpu.matmul %select_n3A, %get3A_29, %dot_general3A {dimension_numbers = #tpu.dot_dimension_numbers<[1], [1], [0], [0], [0, 0, 1, 0], [], []>, transpose_lhs_hint = false} : vector<1280x128xf32>, vector<128x128xf32>, vector<1280x128xf32> -> vector<1280x128xf32>
    %get3A_31 = arith.constant 0 : index
    %get3A_32 = arith.constant 0 : index
    %get3A_33 = vector.load %arg4[%get3A_31, %get3A_32] : memref<1x128xf32, #tpu.memory_space<vmem>>, vector<1x128xf32>
    %add3A_34 = vector.broadcast %get3A_33 : vector<1x128xf32> to vector<1280x128xf32>
    %add3A_35 = arith.addf %dot_general3A_30, %add3A_34 : vector<1280x128xf32>
    %swap3A = arith.constant 0 : index
    %swap3A_36 = arith.constant 0 : index
    %swap3A_37 = vector.load %arg5[%swap3A, %swap3A_36] : memref<1280x128xf32, #tpu.memory_space<vmem>>, vector<1280x128xf32>
    tpu.vector_store %arg5[%swap3A, %swap3A_36], %add3A_35 {strides = array<i32>} : memref<1280x128xf32, #tpu.memory_space<vmem>>, vector<1280x128xf32>,
    return
  }
  func.func @transform_0(%arg0: i32) -> (i32, i32, i32) {
    %c0_i32 = arith.constant 0 : i32
    %c0_i32_0 = arith.constant 0 : i32
    %c0_i32_1 = arith.constant 0 : i32
    return %c0_i32, %arg0, %c0_i32_0 : i32, i32, i32
  }
  func.func @transform_1(%arg0: i32) -> (i32, i32, i32) {
    %c0_i32 = arith.constant 0 : i32
    %c0_i32_0 = arith.constant 0 : i32
    %c0_i32_1 = arith.constant 0 : i32
    return %c0_i32, %arg0, %c0_i32_0 : i32, i32, i32
  }
  func.func @transform_2(%arg0: i32) -> (i32, i32) {
    %c0_i32 = arith.constant 0 : i32
    %c0_i32_0 = arith.constant 0 : i32
    %c0_i32_1 = arith.constant 0 : i32
    return %c0_i32, %c0_i32_0 : i32, i32
  }
  func.func @transform_3(%arg0: i32) -> (i32, i32) {
    %c0_i32 = arith.constant 0 : i32
    %c0_i32_0 = arith.constant 0 : i32
    %c0_i32_1 = arith.constant 0 : i32
    return %c0_i32, %c0_i32_0 : i32, i32
  }
  func.func @transform_4(%arg0: i32) -> (i32, i32) {
    %c0_i32 = arith.constant 0 : i32
    %c0_i32_0 = arith.constant 0 : i32
    return %arg0, %c0_i32 : i32, i32
  }
}

</mosaic_0001>

<sc_bundles>
// kernel: kernel.4.cloned.1.call-start
scs
__scs_entry_jumppad:
0x0: {  	(pc) =	sbr.rel $0x88, $3  }
0x1: {  	(tag) =	ssettag $0x0;
	lr =	simm.s32 $0x1  }
0x2: {  	[smem:$0x3F9D] =	sst lr;
	_ =	strace $0xD0000000  }
0x3: {  	_ = 	snop  }
0x4: {  	_ = 	snop  }
0x5: {  	_ = 	snop  }
0x6: {  	_ = 	snop  }
0x7: {  	_ = 	snop  }
__scs_overlays_trampoline_lowered:
0x8: {  	[smem:$0x3FAC] =	sst s0  }
0x9: {  	[smem:$0x3FAD] =	sst s1  }
0xa: {  	[smem:$0x3FAE] =	sst s2  }
0xb: {  	[smem:$0x3FAF] =	sst s3  }
0xc: {  	[smem:$0x3FB0] =	sst s4  }
0xd: {  	[smem:$0x3FB1] =	sst s5  }
0xe: {  	[smem:$0x3FB2] =	sst s6  }
0xf: {  	[smem:$0x3FB3] =	sst s7  }
0x10: {  	[smem:$0x3FB4] =	sst s8  }
0x11: {  	[smem:$0x3FB5] =	sst s9;
	s0 =	simm.s32 @!p0 $0x0  }
0x12: {  	s1 =	sld [smem:$0x3F9B];
	s0 =	simm.s32 @p0 $0x1  }
0x13: {  	[smem:$0x3FB6] =	sst s0;
	s0 =	simm.s32 @!p1 $0x0  }
0x14: {  	s2 =	sld [smem:$0x3F9A];
	s0 =	simm.s32 @p1 $0x1  }
0x15: {  	[smem:$0x3FB7] =	sst s0;
	s0 =	simm.s32 @!p2 $0x0  }
0x16: {  	s3 =	sld [smem:$0x3FDB];
	s0 =	simm.s32 @p2 $0x1  }
0x17: {  	s4 =	simm.s32 $0x1BF5;
	[smem:$0x3FB9] =	sst s0  }
0x18: {  	s0 =	sld [smem:$0x3F9C];
	_ =	swait.ge [sflag:s4], $0x0  }
0x19: {  	s7 =	sld [smem:$0x3F9D]  }
0x1a: {  	s8 =	sadd.s32 $0xFFFFE003, lr  }
0x1b: {  	s9 =	sadd.s32 $0xFFFFFEF7, lr;
	s5 =	simm.s32 $0xFFFFFFFF;
	p2 =	slt.u32 s8, $0xFFFFF086  }
0x1c: {  	p1 =	slt.u32 s9, $0xF7A;
	s5 =	simm.s32 @!p2 $0x0  }
0x1d: {  	s5 =	simm.s32 @p1 $0x1;
	p0 =	seq.s32 s7, s2  }
0x1e: {  	s7 =	smul.u32 @!p0 $0xF7A, s2;
	p2 =	seq.s32 @!p0 s5, $0x0  }
0x1f: {  	s9 =	smul.u32 $0xF7A, s1;
	s8 =	simm.s32 @!p0 $0x1BF5;
	p2 =	por !p2, p0  }
0x20: {  	[sflag:s8] =	ssyncset.s32 @!p0 $0xFFFFF086;
	s6 =	sadd.s32 @!p0 s3, s7;
	s7 =	simm.s32 @!p0 $0x108  }
0x21: {  	s3 =	sadd.s32 s3, s9;
	s6 =	sadd.s32 @!p0 $0x88, s6;
	s7 =	simm.s32 @p2 $0x1082  }
0x22: {  	[simem:s7], [sflag:s8] =	dma.local @!p0 [hbm:s6], $0xF7A  }
0x23: {  	s9 =	sor.u32 $0xD0000000, s2;
	s6 =	simm.s32 $0x108;
	_ =	swait.ge @!p0 [sflag:s8], $0x0  }
0x24: {  	s3 =	sadd.s32 $0x88, s3;
	s6 =	simm.s32 @!p1 $0x1082;
	[sflag:s4] =	ssyncset.s32 $0xFFFFF086  }
0x25: {  	[simem:s6], [sflag:s4] =	dma.local [hbm:s3], $0xF7A  }
0x26: {  	[smem:$0x3F9D] =	sst s1;
	(tag) =	ssettag s2;
	_ =	strace s9  }
0x27: {  	s1 =	sld [smem:$0x3FAD]  }
0x28: {  	s2 =	sld [smem:$0x3FAE]  }
0x29: {  	s4 =	sld [smem:$0x3FB0]  }
0x2a: {  	p0 =	seq.s32 s5, $0x0;
	s5 =	sld [smem:$0x3FB1]  }
0x2b: {  	s6 =	sld [smem:$0x3FB2]  }
0x2c: {  	s7 =	sld [smem:$0x3FB3]  }
0x2d: {  	s3 =	simm.s32 $0x108;
	s8 =	sld [smem:$0x3FB4]  }
0x2e: {  	s3 =	simm.s32 @!p0 $0x1082;
	s9 =	sld [smem:$0x3FB5]  }
0x2f: {  	lr =	sadd.s32 s0, s3;
	s0 =	sld [smem:$0x3FAC]  }
0x30: {  	s3 =	sld [smem:$0x3FAF]  }
0x31: {  	[smem:$0x3FB8] =	sst s10  }
0x32: {  	s10 =	sld [smem:$0x3FB6];
	_ =	sdelay $0x3  }
0x33: {  	p0 =	seq.s32 s10, $0x1;
	s10 =	sld [smem:$0x3FB8];
	_ =	sdelay $0x3  }
0x34: {  	[smem:$0x3FB8] =	sst s10  }
0x35: {  	s10 =	sld [smem:$0x3FB7];
	_ =	sdelay $0x3  }
0x36: {  	p1 =	seq.s32 s10, $0x1;
	s10 =	sld [smem:$0x3FB8];
	_ =	sdelay $0x3  }
0x37: {  	[smem:$0x3FB8] =	sst s10  }
0x38: {  	s10 =	sld [smem:$0x3FB9]  }
0x39: {  	_ = 	snop;
	(pc) =	sbr.ind lr, $3  }
0x3a: {  	_ = 	snop  }
0x3b: {  	_ = 	snop  }
0x3c: {  	p2 =	seq.s32 s10, $0x1;
	s10 =	sld [smem:$0x3FB8]  }
0x3d: {  	_ =	shalt  }
0x3e: {  	_ =	shalt  }
0x3f: {  	_ =	shalt  }
0x40: {  	_ =	shalt  }
0x41: {  	_ =	shalt  }
0x42: {  	_ =	shalt  }
0x43: {  	_ =	shalt  }
0x44: {  	_ =	shalt  }
0x45: {  	_ =	shalt  }
0x46: {  	_ =	shalt  }
0x47: {  	_ =	shalt  }
0x48: {  	_ =	shalt  }
0x49: {  	_ =	shalt  }
0x4a: {  	_ =	shalt  }
0x4b: {  	_ =	shalt  }
0x4c: {  	_ =	shalt  }
0x4d: {  	_ =	shalt  }
0x4e: {  	_ =	shalt  }
0x4f: {  	_ =	shalt  }
0x50: {  	_ =	shalt  }
0x51: {  	_ =	shalt  }
0x52: {  	_ =	shalt  }
0x53: {  	_ =	shalt  }
0x54: {  	_ =	shalt  }
0x55: {  	_ =	shalt  }
0x56: {  	_ =	shalt  }
0x57: {  	_ =	shalt  }
0x58: {  	_ =	shalt  }
0x59: {  	_ =	shalt  }
0x5a: {  	_ =	shalt  }
0x5b: {  	_ =	shalt  }
0x5c: {  	_ =	shalt  }
0x5d: {  	_ =	shalt  }
0x5e: {  	_ =	shalt  }
0x5f: {  	_ =	shalt  }
0x60: {  	_ =	shalt  }
0x61: {  	_ =	shalt  }
0x62: {  	_ =	shalt  }
0x63: {  	_ =	shalt  }
0x64: {  	_ =	shalt  }
0x65: {  	_ =	shalt  }
0x66: {  	_ =	shalt  }
0x67: {  	_ =	shalt  }
0x68: {  	_ =	shalt  }
0x69: {  	_ =	shalt  }
0x6a: {  	_ =	shalt  }
0x6b: {  	_ =	shalt  }
0x6c: {  	_ =	shalt  }
0x6d: {  	_ =	shalt  }
0x6e: {  	_ =	shalt  }
0x6f: {  	_ =	shalt  }
0x70: {  	_ =	shalt  }
0x71: {  	_ =	shalt  }
0x72: {  	_ =	shalt  }
0x73: {  	_ =	shalt  }
0x74: {  	_ =	shalt  }
0x75: {  	_ =	shalt  }
0x76: {  	_ =	shalt  }
0x77: {  	_ =	shalt  }
0x78: {  	_ =	shalt  }
0x79: {  	_ =	shalt  }
0x7a: {  	_ =	shalt  }
0x7b: {  	_ =	shalt  }
0x7c: {  	_ =	shalt  }
0x7d: {  	_ =	shalt  }
0x7e: {  	_ =	shalt  }
0x7f: {  	_ =	shalt  }
0x80: {  	_ =	shalt  }
0x81: {  	_ =	shalt  }
0x82: {  	_ =	shalt  }
0x83: {  	_ =	shalt  }
0x84: {  	_ =	shalt  }
0x85: {  	_ =	shalt  }
0x86: {  	_ =	shalt  }
0x87: {  	_ =	shalt  }
.Lfunc_end0:
.L_simem_size_0:
called_computation_lowered:
.L_overlay_start_0:
0x88: {  	s2 =	sld [smem:$0x3FD9]  }
0x89: {  	s3 =	sld [smem:$0x3FFE];
	_ =	sdelay $0x1  }
0x8a: {  	s1 =	srdreg.scid  }
0x8b: {  	s0 =	sand.u32 $0x1, s1  }
0x8c: {  	s17 =	sshll.u32 s0, $0xA;
	s2 =	sadd.s32 s3, s2  }
0x8d: {  	s2 =	sadd.s32 s2, s17  }
0x8e: {  	[smem:$0x3FC4] =	sst s2  }
0x8f: {  	_ = 	snop  }
0x90: {  	s2 =	sld [smem:$0x3FC9]  }
0x91: {  	s18 =	sld [smem:$0x3FD0];
	(tm) =	ssettm $0x1  }
0x92: {  	s4 =	sld [smem:$0x3FFB];
	_ =	sdelay $0x3  }
0x93: {  	_ =	strace s4  }
0x94: {  	s4 =	sld [smem:$0x3FFC];
	_ =	sdelay $0x3  }
0x95: {  	_ =	strace s4  }
0x96: {  	s4 =	sld [smem:$0x3FFD];
	_ =	sdelay $0x3  }
0x97: {  	_ =	strace s4  }
0x98: {  	_ =	strace $0x8FFFFFFF  }
0x99: {  	s19 =	sld [smem:$0x3FDB];
	_ =	sdelay $0x1  }
0x9a: {  	s5 =	simm.s32 $_scs_section_size  }
0x9b: {  	s6 =	simm.s32 $_size__tile_overlayer_lowered;
	s7 =	simm.s32 $_tile_overlayer_lowered  }
0x9c: {  	s22 =	simm.s32 $0x1BFF;
	s21 =	sshll.u32 s7, $0x1;
	s4 =	sadd.s32 s5, s19  }
0x9d: {  	s8 =	simm.s32 $0x0;
	s20 =	sshll.u32 s6, $0x1;
	s6 =	sadd.s32 s21, s4  }
0x9e: {  	[timem:s8], [sflag:s22] =	dma.local [hbm:s6], s20  }
0x9f: {  	_ =	swait.ge [sflag:s22], s20  }
0xa0: {  	s5 =	ssub.s32 $0x0, s20;
	[sflag:s22] =	ssyncset.done $0x0  }
0xa1: {  	[sflag:s22] =	ssyncadd.s32 s5;
	_ =	sdelay $0x1  }
0xa2: {  	s23 =	simm.s32 $0x1B8B  }
0xa3: {  	_ =	swait.ge [sflag:s23], $0x1  }
0xa4: {  	[sflag:s23] =	ssyncset.done $0x0  }
0xa5: {  	s25 =	simm.s32 $0x1B8E;
	s24 =	sld [smem:$0x3FFE];
	[sflag:s23] =	ssyncadd.s32 $0xFFFFFFFF  }
0xa6: {  	s26 =	simm.s32 $execute0_lowered;
	[smem:$0x3FD2] =	sst s25  }
0xa7: {  	s6 =	sshll.u32 s26, $0x1;
	_ =	strace $0x80000046;
	[dreg:$0x1] =	wrdreg $0xFFFFFFFF  }
0xa8: {  	s28 =	simm.s32 $_size_execute0_lowered;
	s4 =	sadd.s32 s4, s6;
	[dreg:$0x0] =	wrdreg $0x0  }
0xa9: {  	s6 =	sshll.u32 s28, $0x1;
	[dreg:$0x2] =	wrdreg s4  }
0xaa: {  	[dreg:$0x3] =	wrdreg s6  }
0xab: {  	[dreg:$0x4] =	wrdreg $0xC0  }
0xac: {  	_ =	task [dreg:s8], $0x5FFFF  }
0xad: {  	[dreg:$0x1] =	wrdreg $0xFFFFFFFF  }
0xae: {  	[dreg:$0x0] =	wrdreg $0x60  }
0xaf: {  	[dreg:$0x2] =	wrdreg s18  }
0xb0: {  	[dreg:$0x3] =	wrdreg s24  }
0xb1: {  	[dreg:$0x4] =	wrdreg s2  }
0xb2: {  	[dreg:$0x5] =	wrdreg $0x0  }
0xb3: {  	[dreg:$0x6] =	wrdreg $0x9  }
0xb4: {  	_ =	task.clear_ibuf [dreg:s8], $0x7FFFF;
	_ =	strace $0x90000046  }
0xb5: {  	s29 =	simm.s32 $0x9;
	_ =	strace $0x80000048  }
0xb6: {  	_ =	swait.ge [sflag:s29], $0x1  }
0xb7: {  	[sflag:s29] =	ssyncadd.s32 $0xFFFFFFFF  }
0xb8: {  	_ =	strace $0x90000048  }
0xb9: {  	_ =	sfence  }
0xba: {  	s30 =	sld [smem:$0x0];
	_ =	sdelay $0x2  }
0xbb: {  	s31 =	sshll.u32 s1, $0xD;
	s1 =	sshrl.u32 s1, $0x2  }
0xbc: {  	s3 =	sand.u32 $0x4000, s31;
	s1 =	sadd.s32 s1, s30  }
0xbd: {  	s0 =	sor.u32 s3, s0;
	s1 =	sshll.u32 s1, $0x11  }
0xbe: {  	s0 =	sor.u32 s1, s0  }
0xbf: {  	s0 =	sadd.s32 $0x8F2B, s0  }
0xc0: {  	[sflag:s0] =	ssyncadd.remote.s32 $0x1  }
0xc1: {  	_ =	sfence.sel $0xFFFF  }
0xc2: {  	[dreg:$0x0] =	wrdreg $0xFFFFFFFF;
	(pc) =	sbr.abs _section_cstart, $3  }
0xc3: {  	[dreg:$0x1] =	wrdreg $0xFFFFFFFF  }
0xc4: {  	_ =	task.clear_ibuf [dreg:s8], $0x2FFFF;
	_ =	strace $0x9FFFFFFF  }
0xc5: {  	(tm) =	ssettm $0x7FFFFFFF  }
tec
execute0_lowered:
.L_overlay_start_1:
0x0: {  	(tag) =	ssettag $0x1  }
0x1: {  	s1 =	rddreg [dreg:$0x1]  }
0x2: {  	s0 =	simm.s32 $0x0;
	s2 =	srdreg.scid;
	s22 =	stileid.u32  }
0x3: {  	[smem:$0x7FF] =	sst s0;
	s2 =	sand.u32 $0x1, s2;
	s3 =	sadd.s32 $0x14800, s1  }
0x4: {  	s6 =	sshll.u32 s22, $0x1;
	s7 =	smul.u32 $0x14000, s22;
	s4 =	ssub.s32 $0x2, s2  }
0x5: {  	s8 =	sadd.s32 $0x64800, s1;
	s31 =	smul.u32 $0x140000, s2;
	s5 =	sshrl.u32 s4, $0x1  }
0x6: {  	s9 =	sor.u32 $0x2800, s7;
	s10 =	sadd.s32 $0x5000, s7;
	s11 =	sadd.s32 $0x7800, s7  }
0x7: {  	s12 =	sadd.s32 $0xA000, s7;
	s13 =	sadd.s32 $0xC800, s7;
	s14 =	sadd.s32 $0xF000, s7  }
0x8: {  	s4 =	ssub.s32 s4, s5;
	s5 =	sor.u32 s2, s6;
	s15 =	sadd.s32 s31, s7  }
0x9: {  	s16 =	sadd.s32 s31, s9;
	s7 =	sadd.s32 $0x11800, s7;
	s23 =	sadd.s32 s31, s10  }
0xa: {  	s18 =	sadd.s32 s31, s11;
	s19 =	sadd.s32 s31, s12;
	s15 =	sshrl.u32 s15, $0x3  }
0xb: {  	s24 =	sadd.s32 s31, s13;
	s16 =	sshrl.u32 s16, $0x3;
	s17 =	sadd.s32 s3, s15  }
0xc: {  	s19 =	sshrl.u32 s19, $0x3;
	s21 =	sadd.s32 s3, s16;
	[dreg:$0x5] =	wrdreg s17  }
0xd: {  	s18 =	sshrl.u32 s18, $0x3;
	s25 =	sadd.s32 s3, s19;
	[dreg:$0x6] =	wrdreg s21  }
0xe: {  	s6 =	sadd.s32 s31, s7;
	s30 =	sadd.s32 s8, s15;
	[dreg:$0x9] =	wrdreg s25  }
0xf: {  	s17 =	sshrl.u32 s23, $0x3;
	s23 =	sadd.s32 s3, s18;
	[dreg:$0xd] =	wrdreg s30  }
0x10: {  	s21 =	sadd.s32 s31, s14;
	s31 =	sadd.s32 s8, s16;
	[dreg:$0x8] =	wrdreg s23  }
0x11: {  	s16 =	sadd.s32 s8, s18;
	[dreg:$0xe] =	wrdreg s31  }
0x12: {  	s20 =	sadd.s32 s3, s17;
	[dreg:$0x10] =	wrdreg s16  }
0x13: {  	s15 =	sadd.s32 s8, s17;
	[dreg:$0x7] =	wrdreg s20  }
0x14: {  	s2 =	smul.u32 $0x5, s2;
	s17 =	sadd.s32 s8, s19;
	[dreg:$0xf] =	wrdreg s15  }
0x15: {  	s6 =	sshrl.u32 s6, $0x3;
	s21 =	sshrl.u32 s21, $0x3;
	[dreg:$0x11] =	wrdreg s17  }
0x16: {  	s19 =	smul.u32 $0xA00, s5;
	s29 =	sadd.s32 s3, s21;
	s15 =	rddreg [dreg:$0x0]  }
0x17: {  	s23 =	smul.u32 $0xA, s22;
	s21 =	sadd.s32 s8, s21;
	[dreg:$0xb] =	wrdreg s29  }
0x18: {  	s20 =	sshrl.u32 s24, $0x3;
	s24 =	smul.u32 $0x50000, s22;
	[dreg:$0x13] =	wrdreg s21  }
0x19: {  	s26 =	sadd.s32 s3, s20;
	s18 =	sadd.s32 s8, s20;
	s20 =	rddreg [dreg:$0x3]  }
0x1a: {  	s22 =	sadd.s32 $0x800, s1;
	s3 =	sadd.s32 s3, s6;
	[dreg:$0xa] =	wrdreg s26  }
0x1b: {  	s6 =	sadd.s32 s8, s6;
	s2 =	sadd.s32 s2, s23;
	[dreg:$0xc] =	wrdreg s3  }
0x1c: {  	s23 =	smul.u32 $0x5, s5;
	s21 =	sadd.s32 s22, s19;
	[dreg:$0x12] =	wrdreg s18  }
0x1d: {  	s29 =	smax.u32 s4, $0x1;
	s5 =	simm.s32 $0x18000;
	s18 =	rddreg [dreg:$0x2]  }
0x1e: {  	s8 =	simm.s32 $0x1;
	[dreg:$0x14] =	wrdreg s6;
	s25 =	sshrl.u32 s24, $0x2  }
0x1f: {  	s26 =	sadd.s32 s15, s19;
	s28 =	sadd.s32 s10, s20;
	s30 =	sadd.s32 s11, s20  }
0x20: {  	s17 =	sadd.s32 s12, s20;
	s1 =	sadd.s32 s13, s20;
	s31 =	sshll.u32 s2, $0x9  }
0x21: {  	s2 =	sadd.s32 s14, s20;
	s3 =	sadd.s32 s7, s20;
	s7 =	simm.s32 $0x50  }
0x22: {  	s10 =	simm.s32 $0x2;
	_ =	strace $0x80000047;
	[dreg:$0x15] =	wrdreg s26  }
0x23: {  	s11 =	simm.s32 $0x0;
	[dreg:$0x16] =	wrdreg s29;
	s4 =	sadd.s32 s31, s22  }
0x24: {  	s24 =	sadd.s32 s25, s20;
	[dreg:$0x17] =	wrdreg s30;
	s4 =	sadd.s32 $0x200, s4  }
0x25: {  	v0 =	vimm.f32 $0.0e+00;
	v1 =	vimm.f32 $1.000000000e+00;
	s25 =	sadd.s32 s9, s20;
	s9 =	simm.s32 $0x4;
	[dreg:$0x18] =	wrdreg s4  }
.LBB2_1:
0x26: {  	s12 =	sand.u32 $0xFE00, s0  }
0x27: {  	s13 =	sand.u32 $0x70, s0;
	s14 =	sshrl.u32 s12, $0x2  }
0x28: {  	s12 =	simm.s32 $0x40;
	s14 =	sor.u32 s13, s14;
	s13 =	simm.s32 $0x0  }
.LBB2_2:
0x29: {  	p0 =	sne.s32 s12, $0x9FC0  }
0x2a: {  	[tilespmem:s14+$0x18000] =	vst v0;
	s13 =	sadd.s32 $0x10, s13;
	s14 =	smov.u32 s12;
	s12 =	sadd.s32 $0x40, s12  }
.Ltmp0:
0x2b: {  	(pc) =	sbr.rel @p0 .LBB2_2-.Ltmp0, $4  }
0x2c: {  	_ = 	snop  }
0x2d: {  	s14 =	sand.u32 $0xFE00, s14  }
0x2e: {  	s16 =	sand.u32 $0x70, s13;
	s14 =	sshrl.u32 s14, $0x2  }
0x2f: {  	s14 =	sor.u32 s16, s14  }
0x30: {  	[tilespmem:s14+$0x18000] =	vst v0;
	s13 =	simm.s32 $0x4  }
0x31: {  	[spmem:s24] =	stream.linear.scatter [tilespmem:s5], [sflag:$0x4], $0x2800, $0x38;
	[tilespmem:$0x1D000] =	vst v63  }
0x32: {  	_ =	swait.ge [sflag:s13], $0x2800  }
0x33: {  	[sflag:s13] =	ssyncset.done $0x0  }
0x34: {  	[sflag:s13] =	ssyncadd.s32 $0xFFFFD800  }
0x35: {  	[spmem:s25] =	stream.linear.scatter [tilespmem:s5], [sflag:$0x4], $0x2800, $0x38;
	[tilespmem:$0x1D000] =	vst v63  }
0x36: {  	_ =	swait.ge [sflag:s13], $0x2800  }
0x37: {  	[sflag:s13] =	ssyncset.done $0x0  }
0x38: {  	[sflag:s13] =	ssyncadd.s32 $0xFFFFD800  }
0x39: {  	[spmem:s28] =	stream.linear.scatter [tilespmem:s5], [sflag:$0x4], $0x2800, $0x38;
	[tilespmem:$0x1D000] =	vst v63  }
0x3a: {  	_ =	swait.ge [sflag:s13], $0x2800  }
0x3b: {  	[sflag:s13] =	ssyncset.done $0x0  }
0x3c: {  	s4 =	rddreg [dreg:$0x17];
	[sflag:s13] =	ssyncadd.s32 $0xFFFFD800  }
0x3d: {  	[spmem:s4] =	stream.linear.scatter [tilespmem:s5], [sflag:$0x4], $0x2800, $0x38;
	[tilespmem:$0x1D000] =	vst v63  }
0x3e: {  	_ =	swait.ge [sflag:s13], $0x2800  }
0x3f: {  	[sflag:s13] =	ssyncset.done $0x0  }
0x40: {  	[sflag:s13] =	ssyncadd.s32 $0xFFFFD800  }
0x41: {  	[spmem:s17] =	stream.linear.scatter [tilespmem:s5], [sflag:$0x4], $0x2800, $0x38;
	[tilespmem:$0x1D000] =	vst v63  }
0x42: {  	_ =	swait.ge [sflag:s13], $0x2800  }
0x43: {  	[sflag:s13] =	ssyncset.done $0x0  }
0x44: {  	[sflag:s13] =	ssyncadd.s32 $0xFFFFD800  }
0x45: {  	[spmem:s1] =	stream.linear.scatter [tilespmem:s5], [sflag:$0x4], $0x2800, $0x38;
	[tilespmem:$0x1D000] =	vst v63  }
0x46: {  	_ =	swait.ge [sflag:s13], $0x2800  }
0x47: {  	[sflag:s13] =	ssyncset.done $0x0  }
0x48: {  	[sflag:s13] =	ssyncadd.s32 $0xFFFFD800  }
0x49: {  	[spmem:s2] =	stream.linear.scatter [tilespmem:s5], [sflag:$0x4], $0x2800, $0x38;
	[tilespmem:$0x1D000] =	vst v63  }
0x4a: {  	_ =	swait.ge [sflag:s13], $0x2800  }
0x4b: {  	[sflag:s13] =	ssyncset.done $0x0  }
0x4c: {  	[sflag:s13] =	ssyncadd.s32 $0xFFFFD800  }
0x4d: {  	[spmem:s3] =	stream.linear.scatter [tilespmem:s5], [sflag:$0x4], $0x2800, $0x38;
	[tilespmem:$0x1D000] =	vst v63  }
0x4e: {  	_ =	swait.ge [sflag:s13], $0x2800  }
0x4f: {  	[sflag:s13] =	ssyncset.done $0x0  }
0x50: {  	[sflag:s13] =	ssyncadd.s32 $0xFFFFD800  }
0x51: {  	[bflag:$0x0] =	sbarrier.arrive $0xFFFF  }
0x52: {  	s12 =	simm.s32 $0x0;
	s6 =	simm.s32 $0x14000;
	s26 =	rddreg [dreg:$0x15]  }
0x53: {  	[tilespmem:s6], [sflag:$0x4] =	stream.linear.gather [hbm4b:s26+s12], $0xC80, $0x38;
	[tilespmem:$0x1D000] =	vst v63  }
0x54: {  	s29 =	smov.u32 s24;
	s30 =	smov.u32 s25;
	_ =	swait.ge [sflag:s13], $0xC80  }
0x55: {  	s31 =	smov.u32 s28;
	s14 =	simm.s32 $0x0;
	[sflag:s13] =	ssyncset.done $0x0  }
0x56: {  	s28 =	simm.s32 $0x16000;
	s26 =	smov.u32 s21;
	[sflag:s13] =	ssyncadd.s32 $0xFFFFF380  }
0x57: {  	[tilespmem:s28], [sflag:$0x4] =	stream.linear.gather [hbm4b:s21+s12], $0xC80, $0x38;
	[tilespmem:$0x1D000] =	vst v63  }
.LBB2_4:
0x58: {  	p0 =	seq.s32 s14, $0x4  }
0x59: {  	_ =	swait.ge [sflag:s13], $0xC80;
	s25 =	sand.u32 $0x1, s12;
	s16 =	sadd.s32 @!p0 s23, s14  }
0x5a: {  	[sflag:s13] =	ssyncset.done $0x0;
	s19 =	sshll.u32 @!p0 s14, $0xC;
	s16 =	sshll.u32 @!p0 s16, $0x9  }
0x5b: {  	[sflag:s13] =	ssyncadd.s32 $0xFFFFF380;
	s13 =	sand.u32 @!p0 $0x1000, s19;
	s16 =	sadd.s32 @!p0 $0x200, s16  }
0x5c: {  	s24 =	simm.s32 @!p0 $0x0;
	s19 =	sxor.u32 @!p0 $0x15000, s13;
	s21 =	sadd.s32 @!p0 s15, s16  }
0x5d: {  	[tilespmem:s19], [sflag:$0x3] =	stream.linear.gather @!p0 [hbm4b:s21+s24], $0xC80, $0x38;
	[tilespmem:$0x1D000] =	vst v63  }
0x5e: {  	s4 =	sxor.u32 $0x1, s25;
	s16 =	sadd.s32 @!p0 s22, s16;
	s19 =	sxor.u32 @!p0 $0x17000, s13  }
0x5f: {  	[tilespmem:s19], [sflag:$0x3] =	stream.linear.gather @!p0 [hbm4b:s16+s24], $0xC80, $0x38;
	[tilespmem:$0x1D000] =	vst v63  }
0x60: {  	s13 =	simm.s32 @p0 $0x0;
	s19 =	smul.u32 $0xA000, s4  }
0x61: {  	s6 =	sor.u32 $0x14000, s13;
	s16 =	smul.u32 $0xA000, s25  }
0x62: {  	[tilespmem:s5], [sflag:$0x1] =	stream.indirect.gather [hbm4b:s18+s7], $0x80, s6, s7, $0xb8;
	[tilespmem:$0x1D000] =	vst v63  }
0x63: {  	s28 =	sadd.s32 $0x14080, s13;
	s24 =	simm.s32 $0x1;
	s19 =	sshrl.u32 s19, $0x2  }
0x64: {  	s6 =	sor.u32 $0x16000, s13;
	s16 =	sshrl.u32 s16, $0x2;
	s19 =	sor.u32 $0x18000, s19  }
0x65: {  	[tilespmem:s19], [sflag:$0x1] =	stream.indirect.gather [hbm4b:s18+s7], $0x80, s28, s7, $0xb8;
	[tilespmem:$0x1D000] =	vst v63  }
0x66: {  	s16 =	sor.u32 $0x18000, s16;
	s19 =	sand.u32 $0x1, s24;
	_ =	swait.ge [sflag:s8], $0x2800  }
0x67: {  	s25 =	sxor.u32 $0x1, s19;
	s21 =	smul.u32 $0xA000, s19;
	[sflag:s8] =	ssyncset.done $0x0  }
0x68: {  	s19 =	sadd.s32 $0x80, s28;
	s28 =	smul.u32 $0xA000, s25;
	[sflag:s8] =	ssyncadd.s32 $0xFFFFD800  }
0x69: {  	[spmem:s20] =	stream.indirect.scatter.add.f32 [tilespmem:s16], [sflag:$0x4], $0x80, s6, s7, $0xb8;
	[tilespmem:$0x1D000] =	vst v63  }
0x6a: {  	s14 =	sadd.s32 $0x1, s14;
	s24 =	simm.s32 $0x2;
	s16 =	sadd.s32 $0x80, s6  }
.LBB2_5:
0x6b: {  	s6 =	sshrl.u32 s28, $0x2;
	s21 =	sshrl.u32 s21, $0x2  }
0x6c: {  	_ =	swait.ge [sflag:s9], $0x2800;
	s28 =	smov.u32 s24;
	s25 =	smov.u32 s16  }
0x6d: {  	s4 =	sadd.s32 $0x1, s24;
	s6 =	sor.u32 $0x18000, s6;
	[sflag:s9] =	ssyncset.done $0x0  }
0x6e: {  	p1 =	sne.s32 s24, $0x17;
	[sflag:s9] =	ssyncadd.s32 $0xFFFFD800  }
0x6f: {  	[tilespmem:s6], [sflag:$0x1] =	stream.indirect.gather [hbm4b:s18+s7], $0x80, s19, s7, $0xb8;
	[tilespmem:$0x1D000] =	vst v63  }
0x70: {  	s24 =	sor.u32 $0x18000, s21;
	s19 =	sadd.s32 $0x80, s19  }
.Ltmp1:
0x71: {  	s6 =	sand.u32 $0x1, s28;
	_ =	swait.ge [sflag:s8], $0x2800;
	(pc) =	sbr.rel @p1 .LBB2_5-.Ltmp1, $4  }
0x72: {  	s28 =	sxor.u32 $0x1, s6;
	s21 =	smul.u32 $0xA000, s6;
	[sflag:s8] =	ssyncset.done $0x0  }
0x73: {  	s16 =	sadd.s32 $0x80, s16;
	s28 =	smul.u32 $0xA000, s28;
	[sflag:s8] =	ssyncadd.s32 $0xFFFFD800  }
0x74: {  	[spmem:s20] =	stream.indirect.scatter.add.f32 [tilespmem:s24], [sflag:$0x4], $0x80, s25, s7, $0xb8;
	[tilespmem:$0x1D000] =	vst v63  }
0x75: {  	s24 =	smov.u32 s4  }
0x76: {  	_ =	swait.ge [sflag:s9], $0x2800  }
0x77: {  	s4 =	sshrl.u32 s28, $0x2;
	[sflag:s9] =	ssyncset.done $0x0  }
0x78: {  	s4 =	sor.u32 $0x18000, s4;
	[sflag:s9] =	ssyncadd.s32 $0xFFFFD800  }
0x79: {  	[tilespmem:s4], [sflag:$0x1] =	stream.indirect.gather [hbm4b:s18+s7], $0x80, s19, s7, $0xb8;
	[tilespmem:$0x1D000] =	vst v63  }
0x7a: {  	_ =	swait.ge [sflag:s8], $0x2800  }
0x7b: {  	s25 =	sshrl.u32 s21, $0x2;
	[sflag:s8] =	ssyncset.done $0x0  }
0x7c: {  	s4 =	sor.u32 $0x18000, s25;
	[sflag:s8] =	ssyncadd.s32 $0xFFFFD800  }
0x7d: {  	[spmem:s20] =	stream.indirect.scatter.add.f32 [tilespmem:s4], [sflag:$0x4], $0x80, s16, s7, $0xb8;
	[tilespmem:$0x1D000] =	vst v63  }
0x7e: {  	_ =	swait.ge [sflag:s9], $0x2800  }
0x7f: {  	[sflag:s9] =	ssyncset.done $0x0  }
0x80: {  	[sflag:s9] =	ssyncadd.s32 $0xFFFFD800  }
0x81: {  	_ =	swait.ge [sflag:s8], $0x2800  }
0x82: {  	[sflag:s8] =	ssyncset.done $0x0  }
.Ltmp2:
0x83: {  	s28 =	sadd.s32 $0x16C00, s13;
	[sflag:s8] =	ssyncadd.s32 $0xFFFFD800;
	(pc) =	sbr.rel @p0 .LBB2_8-.Ltmp2, $4  }
0x84: {  	[spmem:s20] =	stream.indirect.scatter.add.f32 [tilespmem:s5], [sflag:$0x4], $0x80, s28, s7, $0xb8;
	[tilespmem:$0x1D000] =	vst v63  }
0x85: {  	_ =	swait.ge [sflag:s9], $0x2800  }
0x86: {  	[sflag:s9] =	ssyncset.done $0x0  }
0x87: {  	[sflag:s9] =	ssyncadd.s32 $0xFFFFD800  }
.Ltmp3:
0x88: {  	(pc) =	sbr.rel .LBB2_4-.Ltmp3, $4  }
0x89: {  	s13 =	simm.s32 $0x3  }
0x8a: {  	_ =	swait.ge [sflag:s13], $0xC80  }
0x8b: {  	[sflag:s13] =	ssyncset.done $0x0  }
0x8c: {  	[sflag:s13] =	ssyncadd.s32 $0xFFFFF380  }
.LBB2_8:
0x8d: {  	[bflag:$0x0] =	sbarrier.arrive $0xFFFF  }
0x8e: {  	[tilespmem:s5], [sflag:$0x4] =	stream.linear.gather [spmem:s29], $0x2800, $0x38;
	[tilespmem:$0x1D000] =	vst v63  }
0x8f: {  	_ =	swait.ge [sflag:s9], $0x2800  }
0x90: {  	[sflag:s9] =	ssyncset.done $0x0  }
0x91: {  	s12 =	simm.s32 $0x0;
	s4 =	rddreg [dreg:$0x5];
	[sflag:s9] =	ssyncadd.s32 $0xFFFFD800  }
0x92: {  	[hbm4b:s4+s12] =	stream.linear.scatter [tilespmem:s5], [sflag:$0x4], $0x2800, $0x38;
	[tilespmem:$0x1D000] =	vst v63  }
0x93: {  	_ =	swait.ge [sflag:s9], $0x2800  }
0x94: {  	[sflag:s9] =	ssyncset.done $0x0  }
0x95: {  	[sflag:s9] =	ssyncadd.s32 $0xFFFFD800  }
0x96: {  	[tilespmem:s5], [sflag:$0x4] =	stream.linear.gather [spmem:s30], $0x2800, $0x38;
	[tilespmem:$0x1D000] =	vst v63  }
0x97: {  	_ =	swait.ge [sflag:s9], $0x2800  }
0x98: {  	[sflag:s9] =	ssyncset.done $0x0  }
0x99: {  	s6 =	rddreg [dreg:$0x6];
	[sflag:s9] =	ssyncadd.s32 $0xFFFFD800  }
0x9a: {  	[hbm4b:s6+s12] =	stream.linear.scatter [tilespmem:s5], [sflag:$0x4], $0x2800, $0x38;
	[tilespmem:$0x1D000] =	vst v63  }
0x9b: {  	_ =	swait.ge [sflag:s9], $0x2800  }
0x9c: {  	[sflag:s9] =	ssyncset.done $0x0  }
0x9d: {  	[sflag:s9] =	ssyncadd.s32 $0xFFFFD800  }
0x9e: {  	[tilespmem:s5], [sflag:$0x4] =	stream.linear.gather [spmem:s31], $0x2800, $0x38;
	[tilespmem:$0x1D000] =	vst v63  }
0x9f: {  	_ =	swait.ge [sflag:s9], $0x2800  }
0xa0: {  	[sflag:s9] =	ssyncset.done $0x0  }
0xa1: {  	s13 =	rddreg [dreg:$0x7];
	[sflag:s9] =	ssyncadd.s32 $0xFFFFD800  }
0xa2: {  	[hbm4b:s13+s12] =	stream.linear.scatter [tilespmem:s5], [sflag:$0x4], $0x2800, $0x38;
	[tilespmem:$0x1D000] =	vst v63  }
0xa3: {  	_ =	swait.ge [sflag:s9], $0x2800  }
0xa4: {  	[sflag:s9] =	ssyncset.done $0x0  }
0xa5: {  	s14 =	rddreg [dreg:$0x17];
	[sflag:s9] =	ssyncadd.s32 $0xFFFFD800  }
0xa6: {  	[tilespmem:s5], [sflag:$0x4] =	stream.linear.gather [spmem:s14], $0x2800, $0x38;
	[tilespmem:$0x1D000] =	vst v63  }
0xa7: {  	_ =	swait.ge [sflag:s9], $0x2800  }
0xa8: {  	[sflag:s9] =	ssyncset.done $0x0  }
0xa9: {  	s16 =	rddreg [dreg:$0x8];
	[sflag:s9] =	ssyncadd.s32 $0xFFFFD800  }
0xaa: {  	[hbm4b:s16+s12] =	stream.linear.scatter [tilespmem:s5], [sflag:$0x4], $0x2800, $0x38;
	[tilespmem:$0x1D000] =	vst v63  }
0xab: {  	_ =	swait.ge [sflag:s9], $0x2800  }
0xac: {  	[sflag:s9] =	ssyncset.done $0x0  }
0xad: {  	[sflag:s9] =	ssyncadd.s32 $0xFFFFD800  }
0xae: {  	[tilespmem:s5], [sflag:$0x4] =	stream.linear.gather [spmem:s17], $0x2800, $0x38;
	[tilespmem:$0x1D000] =	vst v63  }
0xaf: {  	_ =	swait.ge [sflag:s9], $0x2800  }
0xb0: {  	[sflag:s9] =	ssyncset.done $0x0  }
0xb1: {  	s19 =	rddreg [dreg:$0x9];
	[sflag:s9] =	ssyncadd.s32 $0xFFFFD800  }
0xb2: {  	[hbm4b:s19+s12] =	stream.linear.scatter [tilespmem:s5], [sflag:$0x4], $0x2800, $0x38;
	[tilespmem:$0x1D000] =	vst v63  }
0xb3: {  	_ =	swait.ge [sflag:s9], $0x2800  }
0xb4: {  	[sflag:s9] =	ssyncset.done $0x0  }
0xb5: {  	[sflag:s9] =	ssyncadd.s32 $0xFFFFD800  }
0xb6: {  	[tilespmem:s5], [sflag:$0x4] =	stream.linear.gather [spmem:s1], $0x2800, $0x38;
	[tilespmem:$0x1D000] =	vst v63  }
0xb7: {  	_ =	swait.ge [sflag:s9], $0x2800  }
0xb8: {  	[sflag:s9] =	ssyncset.done $0x0  }
0xb9: {  	s21 =	rddreg [dreg:$0xa];
	[sflag:s9] =	ssyncadd.s32 $0xFFFFD800  }
0xba: {  	[hbm4b:s21+s12] =	stream.linear.scatter [tilespmem:s5], [sflag:$0x4], $0x2800, $0x38;
	[tilespmem:$0x1D000] =	vst v63  }
0xbb: {  	_ =	swait.ge [sflag:s9], $0x2800  }
0xbc: {  	[sflag:s9] =	ssyncset.done $0x0  }
0xbd: {  	[sflag:s9] =	ssyncadd.s32 $0xFFFFD800  }
0xbe: {  	[tilespmem:s5], [sflag:$0x4] =	stream.linear.gather [spmem:s2], $0x2800, $0x38;
	[tilespmem:$0x1D000] =	vst v63  }
0xbf: {  	_ =	swait.ge [sflag:s9], $0x2800  }
0xc0: {  	[sflag:s9] =	ssyncset.done $0x0  }
0xc1: {  	s24 =	smov.u32 s29;
	s29 =	rddreg [dreg:$0xb];
	[sflag:s9] =	ssyncadd.s32 $0xFFFFD800  }
0xc2: {  	[hbm4b:s29+s12] =	stream.linear.scatter [tilespmem:s5], [sflag:$0x4], $0x2800, $0x38;
	[tilespmem:$0x1D000] =	vst v63  }
0xc3: {  	_ =	swait.ge [sflag:s9], $0x2800  }
0xc4: {  	[sflag:s9] =	ssyncset.done $0x0  }
0xc5: {  	[sflag:s9] =	ssyncadd.s32 $0xFFFFD800  }
0xc6: {  	[tilespmem:s5], [sflag:$0x4] =	stream.linear.gather [spmem:s3], $0x2800, $0x38;
	[tilespmem:$0x1D000] =	vst v63  }
0xc7: {  	_ =	swait.ge [sflag:s9], $0x2800  }
0xc8: {  	[sflag:s9] =	ssyncset.done $0x0  }
0xc9: {  	s25 =	smov.u32 s30;
	s30 =	rddreg [dreg:$0xc];
	[sflag:s9] =	ssyncadd.s32 $0xFFFFD800  }
0xca: {  	[hbm4b:s30+s12] =	stream.linear.scatter [tilespmem:s5], [sflag:$0x4], $0x2800, $0x38;
	[tilespmem:$0x1D000] =	vst v63  }
0xcb: {  	_ =	swait.ge [sflag:s9], $0x2800  }
0xcc: {  	s28 =	smov.u32 s31;
	s31 =	sand.u32 $0xFE00, s12;
	[sflag:s9] =	ssyncset.done $0x0  }
0xcd: {  	s6 =	sand.u32 $0x70, s12;
	s4 =	sshrl.u32 s31, $0x2;
	[sflag:s9] =	ssyncadd.s32 $0xFFFFD800  }
0xce: {  	s13 =	simm.s32 $0x40;
	s14 =	sor.u32 s6, s4;
	[bflag:$0x0] =	sbarrier.arrive $0xFFFF  }
.LBB2_9:
0xcf: {  	p0 =	sne.s32 s13, $0x9FC0  }
0xd0: {  	[tilespmem:s14+$0x18000] =	vst v1;
	s12 =	sadd.s32 $0x10, s12;
	s4 =	smov.u32 s13;
	s13 =	sadd.s32 $0x40, s13  }
.Ltmp4:
0xd1: {  	(pc) =	sbr.rel @p0 .LBB2_9-.Ltmp4, $4  }
0xd2: {  	_ = 	snop  }
0xd3: {  	s4 =	sand.u32 $0xFE00, s4  }
0xd4: {  	s6 =	sand.u32 $0x70, s12;
	s4 =	sshrl.u32 s4, $0x2  }
0xd5: {  	s14 =	sor.u32 s6, s4  }
0xd6: {  	[tilespmem:s14+$0x18000] =	vst v1;
	s4 =	simm.s32 $0x16000  }
0xd7: {  	[tilespmem:s4], [sflag:$0x4] =	stream.linear.gather [hbm4b:s26+s0], $0xC80, $0x38;
	[tilespmem:$0x1D000] =	vst v63  }
0xd8: {  	_ =	swait.ge [sflag:s9], $0xC80  }
0xd9: {  	[sflag:s9] =	ssyncset.done $0x0  }
0xda: {  	[sflag:s9] =	ssyncadd.s32 $0xFFFFF380  }
0xdb: {  	[spmem:s20] =	stream.indirect.scatter.add.f32 [tilespmem:s5], [sflag:$0x2], $0x80, s4, s7, $0xb8;
	[tilespmem:$0x1D000] =	vst v63  }
0xdc: {  	s29 =	simm.s32 $0x16080  }
0xdd: {  	[spmem:s20] =	stream.indirect.scatter.add.f32 [tilespmem:s5], [sflag:$0x2], $0x80, s29, s7, $0xb8;
	[tilespmem:$0x1D000] =	vst v63  }
0xde: {  	s30 =	simm.s32 $0x16100  }
0xdf: {  	[spmem:s20] =	stream.indirect.scatter.add.f32 [tilespmem:s5], [sflag:$0x2], $0x80, s30, s7, $0xb8;
	[tilespmem:$0x1D000] =	vst v63  }
0xe0: {  	s31 =	simm.s32 $0x16180  }
0xe1: {  	[spmem:s20] =	stream.indirect.scatter.add.f32 [tilespmem:s5], [sflag:$0x2], $0x80, s31, s7, $0xb8;
	[tilespmem:$0x1D000] =	vst v63  }
0xe2: {  	s6 =	simm.s32 $0x16200  }
0xe3: {  	[spmem:s20] =	stream.indirect.scatter.add.f32 [tilespmem:s5], [sflag:$0x2], $0x80, s6, s7, $0xb8;
	[tilespmem:$0x1D000] =	vst v63  }
0xe4: {  	s12 =	simm.s32 $0x16280  }
0xe5: {  	[spmem:s20] =	stream.indirect.scatter.add.f32 [tilespmem:s5], [sflag:$0x2], $0x80, s12, s7, $0xb8;
	[tilespmem:$0x1D000] =	vst v63  }
0xe6: {  	s13 =	simm.s32 $0x16300  }
0xe7: {  	[spmem:s20] =	stream.indirect.scatter.add.f32 [tilespmem:s5], [sflag:$0x2], $0x80, s13, s7, $0xb8;
	[tilespmem:$0x1D000] =	vst v63  }
0xe8: {  	s14 =	simm.s32 $0x16380  }
0xe9: {  	[spmem:s20] =	stream.indirect.scatter.add.f32 [tilespmem:s5], [sflag:$0x2], $0x80, s14, s7, $0xb8;
	[tilespmem:$0x1D000] =	vst v63  }
0xea: {  	s16 =	simm.s32 $0x16400  }
0xeb: {  	[spmem:s20] =	stream.indirect.scatter.add.f32 [tilespmem:s5], [sflag:$0x2], $0x80, s16, s7, $0xb8;
	[tilespmem:$0x1D000] =	vst v63  }
0xec: {  	s19 =	simm.s32 $0x16480  }
0xed: {  	[spmem:s20] =	stream.indirect.scatter.add.f32 [tilespmem:s5], [sflag:$0x2], $0x80, s19, s7, $0xb8;
	[tilespmem:$0x1D000] =	vst v63  }
0xee: {  	s21 =	smov.u32 s26;
	s26 =	simm.s32 $0x16500  }
0xef: {  	[spmem:s20] =	stream.indirect.scatter.add.f32 [tilespmem:s5], [sflag:$0x2], $0x80, s26, s7, $0xb8;
	[tilespmem:$0x1D000] =	vst v63  }
0xf0: {  	s29 =	simm.s32 $0x16580  }
0xf1: {  	[spmem:s20] =	stream.indirect.scatter.add.f32 [tilespmem:s5], [sflag:$0x2], $0x80, s29, s7, $0xb8;
	[tilespmem:$0x1D000] =	vst v63  }
0xf2: {  	s30 =	simm.s32 $0x16600  }
0xf3: {  	[spmem:s20] =	stream.indirect.scatter.add.f32 [tilespmem:s5], [sflag:$0x2], $0x80, s30, s7, $0xb8;
	[tilespmem:$0x1D000] =	vst v63  }
0xf4: {  	s31 =	simm.s32 $0x16680  }
0xf5: {  	[spmem:s20] =	stream.indirect.scatter.add.f32 [tilespmem:s5], [sflag:$0x2], $0x80, s31, s7, $0xb8;
	[tilespmem:$0x1D000] =	vst v63  }
0xf6: {  	s6 =	simm.s32 $0x16700  }
0xf7: {  	[spmem:s20] =	stream.indirect.scatter.add.f32 [tilespmem:s5], [sflag:$0x2], $0x80, s6, s7, $0xb8;
	[tilespmem:$0x1D000] =	vst v63  }
0xf8: {  	s12 =	simm.s32 $0x16780  }
0xf9: {  	[spmem:s20] =	stream.indirect.scatter.add.f32 [tilespmem:s5], [sflag:$0x2], $0x80, s12, s7, $0xb8;
	[tilespmem:$0x1D000] =	vst v63  }
0xfa: {  	s13 =	simm.s32 $0x16800  }
0xfb: {  	[spmem:s20] =	stream.indirect.scatter.add.f32 [tilespmem:s5], [sflag:$0x2], $0x80, s13, s7, $0xb8;
	[tilespmem:$0x1D000] =	vst v63  }
0xfc: {  	s14 =	simm.s32 $0x16880  }
0xfd: {  	[spmem:s20] =	stream.indirect.scatter.add.f32 [tilespmem:s5], [sflag:$0x2], $0x80, s14, s7, $0xb8;
	[tilespmem:$0x1D000] =	vst v63  }
0xfe: {  	s16 =	simm.s32 $0x16900  }
0xff: {  	[spmem:s20] =	stream.indirect.scatter.add.f32 [tilespmem:s5], [sflag:$0x2], $0x80, s16, s7, $0xb8;
	[tilespmem:$0x1D000] =	vst v63  }
0x100: {  	s19 =	simm.s32 $0x16980  }
0x101: {  	[spmem:s20] =	stream.indirect.scatter.add.f32 [tilespmem:s5], [sflag:$0x2], $0x80, s19, s7, $0xb8;
	[tilespmem:$0x1D000] =	vst v63  }
0x102: {  	s26 =	simm.s32 $0x16A00  }
0x103: {  	[spmem:s20] =	stream.indirect.scatter.add.f32 [tilespmem:s5], [sflag:$0x2], $0x80, s26, s7, $0xb8;
	[tilespmem:$0x1D000] =	vst v63  }
0x104: {  	s29 =	simm.s32 $0x16A80  }
0x105: {  	[spmem:s20] =	stream.indirect.scatter.add.f32 [tilespmem:s5], [sflag:$0x2], $0x80, s29, s7, $0xb8;
	[tilespmem:$0x1D000] =	vst v63  }
0x106: {  	s30 =	simm.s32 $0x16B00  }
0x107: {  	[spmem:s20] =	stream.indirect.scatter.add.f32 [tilespmem:s5], [sflag:$0x2], $0x80, s30, s7, $0xb8;
	[tilespmem:$0x1D000] =	vst v63  }
0x108: {  	s31 =	simm.s32 $0x16B80;
	s12 =	simm.s32 $0x1000  }
0x109: {  	[spmem:s20] =	stream.indirect.scatter.add.f32 [tilespmem:s5], [sflag:$0x2], $0x80, s31, s7, $0xb8;
	[tilespmem:$0x1D000] =	vst v63  }
0x10a: {  	s6 =	simm.s32 $0x16C00;
	s4 =	sand.u32 $0x1000, s12  }
0x10b: {  	[spmem:s20] =	stream.indirect.scatter.add.f32 [tilespmem:s5], [sflag:$0x2], $0x80, s6, s7, $0xb8;
	[tilespmem:$0x1D000] =	vst v63  }
0x10c: {  	s12 =	rddreg [dreg:$0x18];
	s6 =	sor.u32 $0x16000, s4  }
0x10d: {  	[tilespmem:s6], [sflag:$0x4] =	stream.linear.gather [hbm4b:s12+s0], $0xC80, $0x38;
	[tilespmem:$0x1D000] =	vst v63  }
0x10e: {  	_ =	swait.ge [sflag:s9], $0xC80  }
0x10f: {  	[sflag:s9] =	ssyncset.done $0x0  }
0x110: {  	[sflag:s9] =	ssyncadd.s32 $0xFFFFF380  }
0x111: {  	[spmem:s20] =	stream.indirect.scatter.add.f32 [tilespmem:s5], [sflag:$0x2], $0x80, s6, s7, $0xb8;
	[tilespmem:$0x1D000] =	vst v63  }
0x112: {  	s13 =	sor.u32 $0x16080, s4  }
0x113: {  	[spmem:s20] =	stream.indirect.scatter.add.f32 [tilespmem:s5], [sflag:$0x2], $0x80, s13, s7, $0xb8;
	[tilespmem:$0x1D000] =	vst v63  }
0x114: {  	s14 =	sor.u32 $0x16100, s4  }
0x115: {  	[spmem:s20] =	stream.indirect.scatter.add.f32 [tilespmem:s5], [sflag:$0x2], $0x80, s14, s7, $0xb8;
	[tilespmem:$0x1D000] =	vst v63  }
0x116: {  	s16 =	sor.u32 $0x16180, s4  }
0x117: {  	[spmem:s20] =	stream.indirect.scatter.add.f32 [tilespmem:s5], [sflag:$0x2], $0x80, s16, s7, $0xb8;
	[tilespmem:$0x1D000] =	vst v63  }
0x118: {  	s19 =	sor.u32 $0x16200, s4  }
0x119: {  	[spmem:s20] =	stream.indirect.scatter.add.f32 [tilespmem:s5], [sflag:$0x2], $0x80, s19, s7, $0xb8;
	[tilespmem:$0x1D000] =	vst v63  }
0x11a: {  	s26 =	sor.u32 $0x16280, s4  }
0x11b: {  	[spmem:s20] =	stream.indirect.scatter.add.f32 [tilespmem:s5], [sflag:$0x2], $0x80, s26, s7, $0xb8;
	[tilespmem:$0x1D000] =	vst v63  }
0x11c: {  	s29 =	sor.u32 $0x16300, s4  }
0x11d: {  	[spmem:s20] =	stream.indirect.scatter.add.f32 [tilespmem:s5], [sflag:$0x2], $0x80, s29, s7, $0xb8;
	[tilespmem:$0x1D000] =	vst v63  }
0x11e: {  	s30 =	sor.u32 $0x16380, s4  }
0x11f: {  	[spmem:s20] =	stream.indirect.scatter.add.f32 [tilespmem:s5], [sflag:$0x2], $0x80, s30, s7, $0xb8;
	[tilespmem:$0x1D000] =	vst v63  }
0x120: {  	s31 =	sor.u32 $0x16400, s4  }
0x121: {  	[spmem:s20] =	stream.indirect.scatter.add.f32 [tilespmem:s5], [sflag:$0x2], $0x80, s31, s7, $0xb8;
	[tilespmem:$0x1D000] =	vst v63  }
0x122: {  	s13 =	sor.u32 $0x16480, s4  }
0x123: {  	[spmem:s20] =	stream.indirect.scatter.add.f32 [tilespmem:s5], [sflag:$0x2], $0x80, s13, s7, $0xb8;
	[tilespmem:$0x1D000] =	vst v63  }
0x124: {  	s14 =	sor.u32 $0x16500, s4  }
0x125: {  	[spmem:s20] =	stream.indirect.scatter.add.f32 [tilespmem:s5], [sflag:$0x2], $0x80, s14, s7, $0xb8;
	[tilespmem:$0x1D000] =	vst v63  }
0x126: {  	s16 =	sor.u32 $0x16580, s4  }
0x127: {  	[spmem:s20] =	stream.indirect.scatter.add.f32 [tilespmem:s5], [sflag:$0x2], $0x80, s16, s7, $0xb8;
	[tilespmem:$0x1D000] =	vst v63  }
0x128: {  	s19 =	sor.u32 $0x16600, s4  }
0x129: {  	[spmem:s20] =	stream.indirect.scatter.add.f32 [tilespmem:s5], [sflag:$0x2], $0x80, s19, s7, $0xb8;
	[tilespmem:$0x1D000] =	vst v63  }
0x12a: {  	s26 =	sor.u32 $0x16680, s4  }
0x12b: {  	[spmem:s20] =	stream.indirect.scatter.add.f32 [tilespmem:s5], [sflag:$0x2], $0x80, s26, s7, $0xb8;
	[tilespmem:$0x1D000] =	vst v63  }
0x12c: {  	s29 =	sor.u32 $0x16700, s4  }
0x12d: {  	[spmem:s20] =	stream.indirect.scatter.add.f32 [tilespmem:s5], [sflag:$0x2], $0x80, s29, s7, $0xb8;
	[tilespmem:$0x1D000] =	vst v63  }
0x12e: {  	s30 =	sor.u32 $0x16780, s4  }
0x12f: {  	[spmem:s20] =	stream.indirect.scatter.add.f32 [tilespmem:s5], [sflag:$0x2], $0x80, s30, s7, $0xb8;
	[tilespmem:$0x1D000] =	vst v63  }
0x130: {  	s31 =	sor.u32 $0x16800, s4  }
0x131: {  	[spmem:s20] =	stream.indirect.scatter.add.f32 [tilespmem:s5], [sflag:$0x2], $0x80, s31, s7, $0xb8;
	[tilespmem:$0x1D000] =	vst v63  }
0x132: {  	s13 =	sor.u32 $0x16880, s4  }
0x133: {  	[spmem:s20] =	stream.indirect.scatter.add.f32 [tilespmem:s5], [sflag:$0x2], $0x80, s13, s7, $0xb8;
	[tilespmem:$0x1D000] =	vst v63  }
0x134: {  	s14 =	sor.u32 $0x16900, s4  }
0x135: {  	[spmem:s20] =	stream.indirect.scatter.add.f32 [tilespmem:s5], [sflag:$0x2], $0x80, s14, s7, $0xb8;
	[tilespmem:$0x1D000] =	vst v63  }
0x136: {  	s16 =	sor.u32 $0x16980, s4  }
0x137: {  	[spmem:s20] =	stream.indirect.scatter.add.f32 [tilespmem:s5], [sflag:$0x2], $0x80, s16, s7, $0xb8;
	[tilespmem:$0x1D000] =	vst v63  }
0x138: {  	s19 =	sor.u32 $0x16A00, s4  }
0x139: {  	[spmem:s20] =	stream.indirect.scatter.add.f32 [tilespmem:s5], [sflag:$0x2], $0x80, s19, s7, $0xb8;
	[tilespmem:$0x1D000] =	vst v63  }
0x13a: {  	s26 =	sor.u32 $0x16A80, s4  }
0x13b: {  	[spmem:s20] =	stream.indirect.scatter.add.f32 [tilespmem:s5], [sflag:$0x2], $0x80, s26, s7, $0xb8;
	[tilespmem:$0x1D000] =	vst v63  }
0x13c: {  	s29 =	sor.u32 $0x16B00, s4  }
0x13d: {  	[spmem:s20] =	stream.indirect.scatter.add.f32 [tilespmem:s5], [sflag:$0x2], $0x80, s29, s7, $0xb8;
	[tilespmem:$0x1D000] =	vst v63  }
0x13e: {  	s30 =	sor.u32 $0x16B80, s4  }
0x13f: {  	[spmem:s20] =	stream.indirect.scatter.add.f32 [tilespmem:s5], [sflag:$0x2], $0x80, s30, s7, $0xb8;
	[tilespmem:$0x1D000] =	vst v63  }
0x140: {  	s4 =	sor.u32 $0x16C00, s4  }
0x141: {  	[spmem:s20] =	stream.indirect.scatter.add.f32 [tilespmem:s5], [sflag:$0x2], $0x80, s4, s7, $0xb8;
	[tilespmem:$0x1D000] =	vst v63  }
0x142: {  	_ =	swait.ge [sflag:s10], $0x2800  }
0x143: {  	[sflag:s10] =	ssyncset.done $0x0  }
0x144: {  	[sflag:s10] =	ssyncadd.s32 $0xFFFFD800  }
0x145: {  	_ =	swait.ge [sflag:s10], $0x2800  }
0x146: {  	[sflag:s10] =	ssyncset.done $0x0  }
0x147: {  	[sflag:s10] =	ssyncadd.s32 $0xFFFFD800  }
0x148: {  	_ =	swait.ge [sflag:s10], $0x2800  }
0x149: {  	[sflag:s10] =	ssyncset.done $0x0  }
0x14a: {  	[sflag:s10] =	ssyncadd.s32 $0xFFFFD800  }
0x14b: {  	_ =	swait.ge [sflag:s10], $0x2800  }
0x14c: {  	[sflag:s10] =	ssyncset.done $0x0  }
0x14d: {  	[sflag:s10] =	ssyncadd.s32 $0xFFFFD800  }
0x14e: {  	_ =	swait.ge [sflag:s10], $0x2800  }
0x14f: {  	[sflag:s10] =	ssyncset.done $0x0  }
0x150: {  	[sflag:s10] =	ssyncadd.s32 $0xFFFFD800  }
0x151: {  	_ =	swait.ge [sflag:s10], $0x2800  }
0x152: {  	[sflag:s10] =	ssyncset.done $0x0  }
0x153: {  	[sflag:s10] =	ssyncadd.s32 $0xFFFFD800  }
0x154: {  	_ =	swait.ge [sflag:s10], $0x2800  }
0x155: {  	[sflag:s10] =	ssyncset.done $0x0  }
0x156: {  	[sflag:s10] =	ssyncadd.s32 $0xFFFFD800  }
0x157: {  	_ =	swait.ge [sflag:s10], $0x2800  }
0x158: {  	[sflag:s10] =	ssyncset.done $0x0  }
0x159: {  	[sflag:s10] =	ssyncadd.s32 $0xFFFFD800  }
0x15a: {  	_ =	swait.ge [sflag:s10], $0x2800  }
0x15b: {  	[sflag:s10] =	ssyncset.done $0x0  }
0x15c: {  	[sflag:s10] =	ssyncadd.s32 $0xFFFFD800  }
0x15d: {  	_ =	swait.ge [sflag:s10], $0x2800  }
0x15e: {  	[sflag:s10] =	ssyncset.done $0x0  }
0x15f: {  	[sflag:s10] =	ssyncadd.s32 $0xFFFFD800  }
0x160: {  	_ =	swait.ge [sflag:s10], $0x2800  }
0x161: {  	[sflag:s10] =	ssyncset.done $0x0  }
0x162: {  	[sflag:s10] =	ssyncadd.s32 $0xFFFFD800  }
0x163: {  	_ =	swait.ge [sflag:s10], $0x2800  }
0x164: {  	[sflag:s10] =	ssyncset.done $0x0  }
0x165: {  	[sflag:s10] =	ssyncadd.s32 $0xFFFFD800  }
0x166: {  	_ =	swait.ge [sflag:s10], $0x2800  }
0x167: {  	[sflag:s10] =	ssyncset.done $0x0  }
0x168: {  	[sflag:s10] =	ssyncadd.s32 $0xFFFFD800  }
0x169: {  	_ =	swait.ge [sflag:s10], $0x2800  }
0x16a: {  	[sflag:s10] =	ssyncset.done $0x0  }
0x16b: {  	[sflag:s10] =	ssyncadd.s32 $0xFFFFD800  }
0x16c: {  	_ =	swait.ge [sflag:s10], $0x2800  }
0x16d: {  	[sflag:s10] =	ssyncset.done $0x0  }
0x16e: {  	[sflag:s10] =	ssyncadd.s32 $0xFFFFD800  }
0x16f: {  	_ =	swait.ge [sflag:s10], $0x2800  }
0x170: {  	[sflag:s10] =	ssyncset.done $0x0  }
0x171: {  	[sflag:s10] =	ssyncadd.s32 $0xFFFFD800  }
0x172: {  	_ =	swait.ge [sflag:s10], $0x2800  }
0x173: {  	[sflag:s10] =	ssyncset.done $0x0  }
0x174: {  	[sflag:s10] =	ssyncadd.s32 $0xFFFFD800  }
0x175: {  	_ =	swait.ge [sflag:s10], $0x2800  }
0x176: {  	[sflag:s10] =	ssyncset.done $0x0  }
0x177: {  	[sflag:s10] =	ssyncadd.s32 $0xFFFFD800  }
0x178: {  	_ =	swait.ge [sflag:s10], $0x2800  }
0x179: {  	[sflag:s10] =	ssyncset.done $0x0  }
0x17a: {  	[sflag:s10] =	ssyncadd.s32 $0xFFFFD800  }
0x17b: {  	_ =	swait.ge [sflag:s10], $0x2800  }
0x17c: {  	[sflag:s10] =	ssyncset.done $0x0  }
0x17d: {  	[sflag:s10] =	ssyncadd.s32 $0xFFFFD800  }
0x17e: {  	_ =	swait.ge [sflag:s10], $0x2800  }
0x17f: {  	[sflag:s10] =	ssyncset.done $0x0  }
0x180: {  	[sflag:s10] =	ssyncadd.s32 $0xFFFFD800  }
0x181: {  	_ =	swait.ge [sflag:s10], $0x2800  }
0x182: {  	[sflag:s10] =	ssyncset.done $0x0  }
0x183: {  	[sflag:s10] =	ssyncadd.s32 $0xFFFFD800  }
0x184: {  	_ =	swait.ge [sflag:s10], $0x2800  }
0x185: {  	[sflag:s10] =	ssyncset.done $0x0  }
0x186: {  	[sflag:s10] =	ssyncadd.s32 $0xFFFFD800  }
0x187: {  	_ =	swait.ge [sflag:s10], $0x2800  }
0x188: {  	[sflag:s10] =	ssyncset.done $0x0  }
0x189: {  	[sflag:s10] =	ssyncadd.s32 $0xFFFFD800  }
0x18a: {  	s12 =	sadd.s32 $0x200, s12;
	s31 =	simm.s32 $0x2000;
	_ =	swait.ge [sflag:s10], $0x2800  }
0x18b: {  	s16 =	sand.u32 $0x1000, s31;
	s19 =	simm.s32 $0x3000;
	[sflag:s10] =	ssyncset.done $0x0  }
.LBB2_11:
0x18c: {  	s4 =	sor.u32 $0x16000, s16  }
0x18d: {  	[sflag:s10] =	ssyncadd.s32 $0xFFFFD800;
	s14 =	smov.u32 s19;
	s13 =	sadd.s32 $0x1000, s19  }
0x18e: {  	[tilespmem:s4], [sflag:$0x4] =	stream.linear.gather [hbm4b:s12+s0], $0xC80, $0x38;
	[tilespmem:$0x1D000] =	vst v63  }
0x18f: {  	p0 =	sne.s32 s19, $0x4000;
	_ =	swait.ge [sflag:s9], $0xC80  }
0x190: {  	[sflag:s9] =	ssyncset.done $0x0  }
0x191: {  	[sflag:s9] =	ssyncadd.s32 $0xFFFFF380  }
0x192: {  	[spmem:s20] =	stream.indirect.scatter.add.f32 [tilespmem:s5], [sflag:$0x2], $0x80, s4, s7, $0xb8;
	[tilespmem:$0x1D000] =	vst v63  }
0x193: {  	s4 =	sor.u32 $0x16080, s16  }
0x194: {  	[spmem:s20] =	stream.indirect.scatter.add.f32 [tilespmem:s5], [sflag:$0x2], $0x80, s4, s7, $0xb8;
	[tilespmem:$0x1D000] =	vst v63  }
0x195: {  	s4 =	sor.u32 $0x16100, s16  }
0x196: {  	[spmem:s20] =	stream.indirect.scatter.add.f32 [tilespmem:s5], [sflag:$0x2], $0x80, s4, s7, $0xb8;
	[tilespmem:$0x1D000] =	vst v63  }
0x197: {  	s4 =	sor.u32 $0x16180, s16  }
0x198: {  	[spmem:s20] =	stream.indirect.scatter.add.f32 [tilespmem:s5], [sflag:$0x2], $0x80, s4, s7, $0xb8;
	[tilespmem:$0x1D000] =	vst v63  }
0x199: {  	s4 =	sor.u32 $0x16200, s16  }
0x19a: {  	[spmem:s20] =	stream.indirect.scatter.add.f32 [tilespmem:s5], [sflag:$0x2], $0x80, s4, s7, $0xb8;
	[tilespmem:$0x1D000] =	vst v63  }
0x19b: {  	s4 =	sor.u32 $0x16280, s16  }
0x19c: {  	[spmem:s20] =	stream.indirect.scatter.add.f32 [tilespmem:s5], [sflag:$0x2], $0x80, s4, s7, $0xb8;
	[tilespmem:$0x1D000] =	vst v63  }
0x19d: {  	s4 =	sor.u32 $0x16300, s16  }
0x19e: {  	[spmem:s20] =	stream.indirect.scatter.add.f32 [tilespmem:s5], [sflag:$0x2], $0x80, s4, s7, $0xb8;
	[tilespmem:$0x1D000] =	vst v63  }
0x19f: {  	s4 =	sor.u32 $0x16380, s16  }
0x1a0: {  	[spmem:s20] =	stream.indirect.scatter.add.f32 [tilespmem:s5], [sflag:$0x2], $0x80, s4, s7, $0xb8;
	[tilespmem:$0x1D000] =	vst v63  }
0x1a1: {  	s4 =	sor.u32 $0x16400, s16  }
0x1a2: {  	[spmem:s20] =	stream.indirect.scatter.add.f32 [tilespmem:s5], [sflag:$0x2], $0x80, s4, s7, $0xb8;
	[tilespmem:$0x1D000] =	vst v63  }
0x1a3: {  	s4 =	sor.u32 $0x16480, s16  }
0x1a4: {  	[spmem:s20] =	stream.indirect.scatter.add.f32 [tilespmem:s5], [sflag:$0x2], $0x80, s4, s7, $0xb8;
	[tilespmem:$0x1D000] =	vst v63  }
0x1a5: {  	s4 =	sor.u32 $0x16500, s16  }
0x1a6: {  	[spmem:s20] =	stream.indirect.scatter.add.f32 [tilespmem:s5], [sflag:$0x2], $0x80, s4, s7, $0xb8;
	[tilespmem:$0x1D000] =	vst v63  }
0x1a7: {  	s4 =	sor.u32 $0x16580, s16  }
0x1a8: {  	[spmem:s20] =	stream.indirect.scatter.add.f32 [tilespmem:s5], [sflag:$0x2], $0x80, s4, s7, $0xb8;
	[tilespmem:$0x1D000] =	vst v63  }
0x1a9: {  	s4 =	sor.u32 $0x16600, s16  }
0x1aa: {  	[spmem:s20] =	stream.indirect.scatter.add.f32 [tilespmem:s5], [sflag:$0x2], $0x80, s4, s7, $0xb8;
	[tilespmem:$0x1D000] =	vst v63  }
0x1ab: {  	s4 =	sor.u32 $0x16680, s16  }
0x1ac: {  	[spmem:s20] =	stream.indirect.scatter.add.f32 [tilespmem:s5], [sflag:$0x2], $0x80, s4, s7, $0xb8;
	[tilespmem:$0x1D000] =	vst v63  }
0x1ad: {  	s4 =	sor.u32 $0x16700, s16  }
0x1ae: {  	[spmem:s20] =	stream.indirect.scatter.add.f32 [tilespmem:s5], [sflag:$0x2], $0x80, s4, s7, $0xb8;
	[tilespmem:$0x1D000] =	vst v63  }
0x1af: {  	s4 =	sor.u32 $0x16780, s16  }
0x1b0: {  	[spmem:s20] =	stream.indirect.scatter.add.f32 [tilespmem:s5], [sflag:$0x2], $0x80, s4, s7, $0xb8;
	[tilespmem:$0x1D000] =	vst v63  }
0x1b1: {  	s4 =	sor.u32 $0x16800, s16  }
0x1b2: {  	[spmem:s20] =	stream.indirect.scatter.add.f32 [tilespmem:s5], [sflag:$0x2], $0x80, s4, s7, $0xb8;
	[tilespmem:$0x1D000] =	vst v63  }
0x1b3: {  	s4 =	sor.u32 $0x16880, s16  }
0x1b4: {  	[spmem:s20] =	stream.indirect.scatter.add.f32 [tilespmem:s5], [sflag:$0x2], $0x80, s4, s7, $0xb8;
	[tilespmem:$0x1D000] =	vst v63  }
0x1b5: {  	s4 =	sor.u32 $0x16900, s16  }
0x1b6: {  	[spmem:s20] =	stream.indirect.scatter.add.f32 [tilespmem:s5], [sflag:$0x2], $0x80, s4, s7, $0xb8;
	[tilespmem:$0x1D000] =	vst v63  }
0x1b7: {  	s4 =	sor.u32 $0x16980, s16  }
0x1b8: {  	[spmem:s20] =	stream.indirect.scatter.add.f32 [tilespmem:s5], [sflag:$0x2], $0x80, s4, s7, $0xb8;
	[tilespmem:$0x1D000] =	vst v63  }
0x1b9: {  	s4 =	sor.u32 $0x16A00, s16  }
0x1ba: {  	[spmem:s20] =	stream.indirect.scatter.add.f32 [tilespmem:s5], [sflag:$0x2], $0x80, s4, s7, $0xb8;
	[tilespmem:$0x1D000] =	vst v63  }
0x1bb: {  	s4 =	sor.u32 $0x16A80, s16  }
0x1bc: {  	[spmem:s20] =	stream.indirect.scatter.add.f32 [tilespmem:s5], [sflag:$0x2], $0x80, s4, s7, $0xb8;
	[tilespmem:$0x1D000] =	vst v63  }
0x1bd: {  	s4 =	sor.u32 $0x16B00, s16  }
0x1be: {  	[spmem:s20] =	stream.indirect.scatter.add.f32 [tilespmem:s5], [sflag:$0x2], $0x80, s4, s7, $0xb8;
	[tilespmem:$0x1D000] =	vst v63  }
0x1bf: {  	s4 =	sor.u32 $0x16B80, s16  }
0x1c0: {  	[spmem:s20] =	stream.indirect.scatter.add.f32 [tilespmem:s5], [sflag:$0x2], $0x80, s4, s7, $0xb8;
	[tilespmem:$0x1D000] =	vst v63  }
0x1c1: {  	s4 =	sor.u32 $0x16C00, s16  }
0x1c2: {  	[spmem:s20] =	stream.indirect.scatter.add.f32 [tilespmem:s5], [sflag:$0x2], $0x80, s4, s7, $0xb8;
	[tilespmem:$0x1D000] =	vst v63  }
0x1c3: {  	_ =	swait.ge [sflag:s10], $0x2800  }
0x1c4: {  	[sflag:s10] =	ssyncset.done $0x0  }
0x1c5: {  	[sflag:s10] =	ssyncadd.s32 $0xFFFFD800  }
0x1c6: {  	_ =	swait.ge [sflag:s10], $0x2800  }
0x1c7: {  	[sflag:s10] =	ssyncset.done $0x0  }
0x1c8: {  	[sflag:s10] =	ssyncadd.s32 $0xFFFFD800  }
0x1c9: {  	_ =	swait.ge [sflag:s10], $0x2800  }
0x1ca: {  	[sflag:s10] =	ssyncset.done $0x0  }
0x1cb: {  	[sflag:s10] =	ssyncadd.s32 $0xFFFFD800  }
0x1cc: {  	_ =	swait.ge [sflag:s10], $0x2800  }
0x1cd: {  	[sflag:s10] =	ssyncset.done $0x0  }
0x1ce: {  	[sflag:s10] =	ssyncadd.s32 $0xFFFFD800  }
0x1cf: {  	_ =	swait.ge [sflag:s10], $0x2800  }
0x1d0: {  	[sflag:s10] =	ssyncset.done $0x0  }
0x1d1: {  	[sflag:s10] =	ssyncadd.s32 $0xFFFFD800  }
0x1d2: {  	_ =	swait.ge [sflag:s10], $0x2800  }
0x1d3: {  	[sflag:s10] =	ssyncset.done $0x0  }
0x1d4: {  	[sflag:s10] =	ssyncadd.s32 $0xFFFFD800  }
0x1d5: {  	_ =	swait.ge [sflag:s10], $0x2800  }
0x1d6: {  	[sflag:s10] =	ssyncset.done $0x0  }
0x1d7: {  	[sflag:s10] =	ssyncadd.s32 $0xFFFFD800  }
0x1d8: {  	_ =	swait.ge [sflag:s10], $0x2800  }
0x1d9: {  	[sflag:s10] =	ssyncset.done $0x0  }
0x1da: {  	[sflag:s10] =	ssyncadd.s32 $0xFFFFD800  }
0x1db: {  	_ =	swait.ge [sflag:s10], $0x2800  }
0x1dc: {  	[sflag:s10] =	ssyncset.done $0x0  }
0x1dd: {  	[sflag:s10] =	ssyncadd.s32 $0xFFFFD800  }
0x1de: {  	_ =	swait.ge [sflag:s10], $0x2800  }
0x1df: {  	[sflag:s10] =	ssyncset.done $0x0  }
0x1e0: {  	[sflag:s10] =	ssyncadd.s32 $0xFFFFD800  }
0x1e1: {  	_ =	swait.ge [sflag:s10], $0x2800  }
0x1e2: {  	[sflag:s10] =	ssyncset.done $0x0  }
0x1e3: {  	[sflag:s10] =	ssyncadd.s32 $0xFFFFD800  }
0x1e4: {  	_ =	swait.ge [sflag:s10], $0x2800  }
0x1e5: {  	[sflag:s10] =	ssyncset.done $0x0  }
0x1e6: {  	[sflag:s10] =	ssyncadd.s32 $0xFFFFD800  }
0x1e7: {  	_ =	swait.ge [sflag:s10], $0x2800  }
0x1e8: {  	[sflag:s10] =	ssyncset.done $0x0  }
0x1e9: {  	[sflag:s10] =	ssyncadd.s32 $0xFFFFD800  }
0x1ea: {  	_ =	swait.ge [sflag:s10], $0x2800  }
0x1eb: {  	[sflag:s10] =	ssyncset.done $0x0  }
0x1ec: {  	[sflag:s10] =	ssyncadd.s32 $0xFFFFD800  }
0x1ed: {  	_ =	swait.ge [sflag:s10], $0x2800  }
0x1ee: {  	[sflag:s10] =	ssyncset.done $0x0  }
0x1ef: {  	[sflag:s10] =	ssyncadd.s32 $0xFFFFD800  }
0x1f0: {  	_ =	swait.ge [sflag:s10], $0x2800  }
0x1f1: {  	[sflag:s10] =	ssyncset.done $0x0  }
0x1f2: {  	[sflag:s10] =	ssyncadd.s32 $0xFFFFD800  }
0x1f3: {  	_ =	swait.ge [sflag:s10], $0x2800  }
0x1f4: {  	[sflag:s10] =	ssyncset.done $0x0  }
0x1f5: {  	[sflag:s10] =	ssyncadd.s32 $0xFFFFD800  }
0x1f6: {  	_ =	swait.ge [sflag:s10], $0x2800  }
0x1f7: {  	[sflag:s10] =	ssyncset.done $0x0  }
0x1f8: {  	[sflag:s10] =	ssyncadd.s32 $0xFFFFD800  }
0x1f9: {  	_ =	swait.ge [sflag:s10], $0x2800  }
0x1fa: {  	[sflag:s10] =	ssyncset.done $0x0  }
0x1fb: {  	[sflag:s10] =	ssyncadd.s32 $0xFFFFD800  }
0x1fc: {  	_ =	swait.ge [sflag:s10], $0x2800  }
0x1fd: {  	[sflag:s10] =	ssyncset.done $0x0  }
0x1fe: {  	[sflag:s10] =	ssyncadd.s32 $0xFFFFD800  }
0x1ff: {  	_ =	swait.ge [sflag:s10], $0x2800  }
0x200: {  	[sflag:s10] =	ssyncset.done $0x0  }
0x201: {  	[sflag:s10] =	ssyncadd.s32 $0xFFFFD800  }
0x202: {  	_ =	swait.ge [sflag:s10], $0x2800  }
0x203: {  	[sflag:s10] =	ssyncset.done $0x0  }
0x204: {  	[sflag:s10] =	ssyncadd.s32 $0xFFFFD800  }
0x205: {  	_ =	swait.ge [sflag:s10], $0x2800  }
0x206: {  	[sflag:s10] =	ssyncset.done $0x0  }
0x207: {  	[sflag:s10] =	ssyncadd.s32 $0xFFFFD800  }
.Ltmp5:
0x208: {  	_ =	swait.ge [sflag:s10], $0x2800;
	(pc) =	sbr.rel @p0 .LBB2_11-.Ltmp5, $4  }
0x209: {  	[sflag:s10] =	ssyncset.done $0x0  }
0x20a: {  	[sflag:s10] =	ssyncadd.s32 $0xFFFFD800  }
0x20b: {  	s12 =	sadd.s32 $0x200, s12;
	_ =	swait.ge [sflag:s10], $0x2800  }
0x20c: {  	s19 =	smov.u32 s13;
	s16 =	sand.u32 $0x1000, s14;
	[sflag:s10] =	ssyncset.done $0x0  }
0x20d: {  	s4 =	sor.u32 $0x16000, s16;
	[sflag:s10] =	ssyncadd.s32 $0xFFFFD800  }
0x20e: {  	[tilespmem:s4], [sflag:$0x4] =	stream.linear.gather [hbm4b:s12+s0], $0xC80, $0x38;
	[tilespmem:$0x1D000] =	vst v63  }
0x20f: {  	_ =	swait.ge [sflag:s9], $0xC80  }
0x210: {  	[sflag:s9] =	ssyncset.done $0x0  }
0x211: {  	[sflag:s9] =	ssyncadd.s32 $0xFFFFF380  }
0x212: {  	[spmem:s20] =	stream.indirect.scatter.add.f32 [tilespmem:s5], [sflag:$0x2], $0x80, s4, s7, $0xb8;
	[tilespmem:$0x1D000] =	vst v63  }
0x213: {  	s14 =	sor.u32 $0x16080, s16  }
0x214: {  	[spmem:s20] =	stream.indirect.scatter.add.f32 [tilespmem:s5], [sflag:$0x2], $0x80, s14, s7, $0xb8;
	[tilespmem:$0x1D000] =	vst v63  }
0x215: {  	s19 =	sor.u32 $0x16100, s16  }
0x216: {  	[spmem:s20] =	stream.indirect.scatter.add.f32 [tilespmem:s5], [sflag:$0x2], $0x80, s19, s7, $0xb8;
	[tilespmem:$0x1D000] =	vst v63  }
0x217: {  	s26 =	sor.u32 $0x16180, s16  }
0x218: {  	[spmem:s20] =	stream.indirect.scatter.add.f32 [tilespmem:s5], [sflag:$0x2], $0x80, s26, s7, $0xb8;
	[tilespmem:$0x1D000] =	vst v63  }
0x219: {  	s29 =	sor.u32 $0x16200, s16  }
0x21a: {  	[spmem:s20] =	stream.indirect.scatter.add.f32 [tilespmem:s5], [sflag:$0x2], $0x80, s29, s7, $0xb8;
	[tilespmem:$0x1D000] =	vst v63  }
0x21b: {  	s30 =	sor.u32 $0x16280, s16  }
0x21c: {  	[spmem:s20] =	stream.indirect.scatter.add.f32 [tilespmem:s5], [sflag:$0x2], $0x80, s30, s7, $0xb8;
	[tilespmem:$0x1D000] =	vst v63  }
0x21d: {  	s31 =	sor.u32 $0x16300, s16  }
0x21e: {  	[spmem:s20] =	stream.indirect.scatter.add.f32 [tilespmem:s5], [sflag:$0x2], $0x80, s31, s7, $0xb8;
	[tilespmem:$0x1D000] =	vst v63  }
0x21f: {  	s6 =	sor.u32 $0x16380, s16  }
0x220: {  	[spmem:s20] =	stream.indirect.scatter.add.f32 [tilespmem:s5], [sflag:$0x2], $0x80, s6, s7, $0xb8;
	[tilespmem:$0x1D000] =	vst v63  }
0x221: {  	s12 =	sor.u32 $0x16400, s16  }
0x222: {  	[spmem:s20] =	stream.indirect.scatter.add.f32 [tilespmem:s5], [sflag:$0x2], $0x80, s12, s7, $0xb8;
	[tilespmem:$0x1D000] =	vst v63  }
0x223: {  	s13 =	sor.u32 $0x16480, s16  }
0x224: {  	[spmem:s20] =	stream.indirect.scatter.add.f32 [tilespmem:s5], [sflag:$0x2], $0x80, s13, s7, $0xb8;
	[tilespmem:$0x1D000] =	vst v63  }
0x225: {  	s14 =	sor.u32 $0x16500, s16  }
0x226: {  	[spmem:s20] =	stream.indirect.scatter.add.f32 [tilespmem:s5], [sflag:$0x2], $0x80, s14, s7, $0xb8;
	[tilespmem:$0x1D000] =	vst v63  }
0x227: {  	s19 =	sor.u32 $0x16580, s16  }
0x228: {  	[spmem:s20] =	stream.indirect.scatter.add.f32 [tilespmem:s5], [sflag:$0x2], $0x80, s19, s7, $0xb8;
	[tilespmem:$0x1D000] =	vst v63  }
0x229: {  	s26 =	sor.u32 $0x16600, s16  }
0x22a: {  	[spmem:s20] =	stream.indirect.scatter.add.f32 [tilespmem:s5], [sflag:$0x2], $0x80, s26, s7, $0xb8;
	[tilespmem:$0x1D000] =	vst v63  }
0x22b: {  	s29 =	sor.u32 $0x16680, s16  }
0x22c: {  	[spmem:s20] =	stream.indirect.scatter.add.f32 [tilespmem:s5], [sflag:$0x2], $0x80, s29, s7, $0xb8;
	[tilespmem:$0x1D000] =	vst v63  }
0x22d: {  	s30 =	sor.u32 $0x16700, s16  }
0x22e: {  	[spmem:s20] =	stream.indirect.scatter.add.f32 [tilespmem:s5], [sflag:$0x2], $0x80, s30, s7, $0xb8;
	[tilespmem:$0x1D000] =	vst v63  }
0x22f: {  	s31 =	sor.u32 $0x16780, s16  }
0x230: {  	[spmem:s20] =	stream.indirect.scatter.add.f32 [tilespmem:s5], [sflag:$0x2], $0x80, s31, s7, $0xb8;
	[tilespmem:$0x1D000] =	vst v63  }
0x231: {  	s6 =	sor.u32 $0x16800, s16  }
0x232: {  	[spmem:s20] =	stream.indirect.scatter.add.f32 [tilespmem:s5], [sflag:$0x2], $0x80, s6, s7, $0xb8;
	[tilespmem:$0x1D000] =	vst v63  }
0x233: {  	s12 =	sor.u32 $0x16880, s16  }
0x234: {  	[spmem:s20] =	stream.indirect.scatter.add.f32 [tilespmem:s5], [sflag:$0x2], $0x80, s12, s7, $0xb8;
	[tilespmem:$0x1D000] =	vst v63  }
0x235: {  	s13 =	sor.u32 $0x16900, s16  }
0x236: {  	[spmem:s20] =	stream.indirect.scatter.add.f32 [tilespmem:s5], [sflag:$0x2], $0x80, s13, s7, $0xb8;
	[tilespmem:$0x1D000] =	vst v63  }
0x237: {  	s14 =	sor.u32 $0x16980, s16  }
0x238: {  	[spmem:s20] =	stream.indirect.scatter.add.f32 [tilespmem:s5], [sflag:$0x2], $0x80, s14, s7, $0xb8;
	[tilespmem:$0x1D000] =	vst v63  }
0x239: {  	s19 =	sor.u32 $0x16A00, s16  }
0x23a: {  	[spmem:s20] =	stream.indirect.scatter.add.f32 [tilespmem:s5], [sflag:$0x2], $0x80, s19, s7, $0xb8;
	[tilespmem:$0x1D000] =	vst v63  }
0x23b: {  	s26 =	sor.u32 $0x16A80, s16  }
0x23c: {  	[spmem:s20] =	stream.indirect.scatter.add.f32 [tilespmem:s5], [sflag:$0x2], $0x80, s26, s7, $0xb8;
	[tilespmem:$0x1D000] =	vst v63  }
0x23d: {  	s29 =	sor.u32 $0x16B00, s16  }
0x23e: {  	[spmem:s20] =	stream.indirect.scatter.add.f32 [tilespmem:s5], [sflag:$0x2], $0x80, s29, s7, $0xb8;
	[tilespmem:$0x1D000] =	vst v63  }
0x23f: {  	s30 =	sor.u32 $0x16B80, s16  }
0x240: {  	[spmem:s20] =	stream.indirect.scatter.add.f32 [tilespmem:s5], [sflag:$0x2], $0x80, s30, s7, $0xb8;
	[tilespmem:$0x1D000] =	vst v63  }
0x241: {  	s31 =	sor.u32 $0x16C00, s16  }
0x242: {  	[spmem:s20] =	stream.indirect.scatter.add.f32 [tilespmem:s5], [sflag:$0x2], $0x80, s31, s7, $0xb8;
	[tilespmem:$0x1D000] =	vst v63  }
0x243: {  	_ =	swait.ge [sflag:s10], $0x2800  }
0x244: {  	[sflag:s10] =	ssyncset.done $0x0  }
0x245: {  	[sflag:s10] =	ssyncadd.s32 $0xFFFFD800  }
0x246: {  	_ =	swait.ge [sflag:s10], $0x2800  }
0x247: {  	[sflag:s10] =	ssyncset.done $0x0  }
0x248: {  	[sflag:s10] =	ssyncadd.s32 $0xFFFFD800  }
0x249: {  	_ =	swait.ge [sflag:s10], $0x2800  }
0x24a: {  	[sflag:s10] =	ssyncset.done $0x0  }
0x24b: {  	[sflag:s10] =	ssyncadd.s32 $0xFFFFD800  }
0x24c: {  	_ =	swait.ge [sflag:s10], $0x2800  }
0x24d: {  	[sflag:s10] =	ssyncset.done $0x0  }
0x24e: {  	[sflag:s10] =	ssyncadd.s32 $0xFFFFD800  }
0x24f: {  	_ =	swait.ge [sflag:s10], $0x2800  }
0x250: {  	[sflag:s10] =	ssyncset.done $0x0  }
0x251: {  	[sflag:s10] =	ssyncadd.s32 $0xFFFFD800  }
0x252: {  	_ =	swait.ge [sflag:s10], $0x2800  }
0x253: {  	[sflag:s10] =	ssyncset.done $0x0  }
0x254: {  	[sflag:s10] =	ssyncadd.s32 $0xFFFFD800  }
0x255: {  	_ =	swait.ge [sflag:s10], $0x2800  }
0x256: {  	[sflag:s10] =	ssyncset.done $0x0  }
0x257: {  	[sflag:s10] =	ssyncadd.s32 $0xFFFFD800  }
0x258: {  	_ =	swait.ge [sflag:s10], $0x2800  }
0x259: {  	[sflag:s10] =	ssyncset.done $0x0  }
0x25a: {  	[sflag:s10] =	ssyncadd.s32 $0xFFFFD800  }
0x25b: {  	_ =	swait.ge [sflag:s10], $0x2800  }
0x25c: {  	[sflag:s10] =	ssyncset.done $0x0  }
0x25d: {  	[sflag:s10] =	ssyncadd.s32 $0xFFFFD800  }
0x25e: {  	_ =	swait.ge [sflag:s10], $0x2800  }
0x25f: {  	[sflag:s10] =	ssyncset.done $0x0  }
0x260: {  	[sflag:s10] =	ssyncadd.s32 $0xFFFFD800  }
0x261: {  	_ =	swait.ge [sflag:s10], $0x2800  }
0x262: {  	[sflag:s10] =	ssyncset.done $0x0  }
0x263: {  	[sflag:s10] =	ssyncadd.s32 $0xFFFFD800  }
0x264: {  	_ =	swait.ge [sflag:s10], $0x2800  }
0x265: {  	[sflag:s10] =	ssyncset.done $0x0  }
0x266: {  	[sflag:s10] =	ssyncadd.s32 $0xFFFFD800  }
0x267: {  	_ =	swait.ge [sflag:s10], $0x2800  }
0x268: {  	[sflag:s10] =	ssyncset.done $0x0  }
0x269: {  	[sflag:s10] =	ssyncadd.s32 $0xFFFFD800  }
0x26a: {  	_ =	swait.ge [sflag:s10], $0x2800  }
0x26b: {  	[sflag:s10] =	ssyncset.done $0x0  }
0x26c: {  	[sflag:s10] =	ssyncadd.s32 $0xFFFFD800  }
0x26d: {  	_ =	swait.ge [sflag:s10], $0x2800  }
0x26e: {  	[sflag:s10] =	ssyncset.done $0x0  }
0x26f: {  	[sflag:s10] =	ssyncadd.s32 $0xFFFFD800  }
0x270: {  	_ =	swait.ge [sflag:s10], $0x2800  }
0x271: {  	[sflag:s10] =	ssyncset.done $0x0  }
0x272: {  	[sflag:s10] =	ssyncadd.s32 $0xFFFFD800  }
0x273: {  	_ =	swait.ge [sflag:s10], $0x2800  }
0x274: {  	[sflag:s10] =	ssyncset.done $0x0  }
0x275: {  	[sflag:s10] =	ssyncadd.s32 $0xFFFFD800  }
0x276: {  	_ =	swait.ge [sflag:s10], $0x2800  }
0x277: {  	[sflag:s10] =	ssyncset.done $0x0  }
0x278: {  	[sflag:s10] =	ssyncadd.s32 $0xFFFFD800  }
0x279: {  	_ =	swait.ge [sflag:s10], $0x2800  }
0x27a: {  	[sflag:s10] =	ssyncset.done $0x0  }
0x27b: {  	[sflag:s10] =	ssyncadd.s32 $0xFFFFD800  }
0x27c: {  	_ =	swait.ge [sflag:s10], $0x2800  }
0x27d: {  	[sflag:s10] =	ssyncset.done $0x0  }
0x27e: {  	[sflag:s10] =	ssyncadd.s32 $0xFFFFD800  }
0x27f: {  	_ =	swait.ge [sflag:s10], $0x2800  }
0x280: {  	[sflag:s10] =	ssyncset.done $0x0  }
0x281: {  	[sflag:s10] =	ssyncadd.s32 $0xFFFFD800  }
0x282: {  	_ =	swait.ge [sflag:s10], $0x2800  }
0x283: {  	[sflag:s10] =	ssyncset.done $0x0  }
0x284: {  	[sflag:s10] =	ssyncadd.s32 $0xFFFFD800  }
0x285: {  	_ =	swait.ge [sflag:s10], $0x2800  }
0x286: {  	[sflag:s10] =	ssyncset.done $0x0  }
0x287: {  	[sflag:s10] =	ssyncadd.s32 $0xFFFFD800  }
0x288: {  	_ =	swait.ge [sflag:s10], $0x2800  }
0x289: {  	[sflag:s10] =	ssyncset.done $0x0  }
0x28a: {  	[sflag:s10] =	ssyncadd.s32 $0xFFFFD800  }
0x28b: {  	_ =	swait.ge [sflag:s10], $0x2800  }
0x28c: {  	[sflag:s10] =	ssyncset.done $0x0  }
0x28d: {  	[sflag:s10] =	ssyncadd.s32 $0xFFFFD800  }
0x28e: {  	_ =	swait.ge [sflag:s10], $0x2800  }
0x28f: {  	[sflag:s10] =	ssyncset.done $0x0  }
0x290: {  	[sflag:s10] =	ssyncadd.s32 $0xFFFFD800  }
0x291: {  	_ =	swait.ge [sflag:s10], $0x2800  }
0x292: {  	[sflag:s10] =	ssyncset.done $0x0  }
0x293: {  	[sflag:s10] =	ssyncadd.s32 $0xFFFFD800  }
0x294: {  	_ =	swait.ge [sflag:s10], $0x2800  }
0x295: {  	[sflag:s10] =	ssyncset.done $0x0  }
0x296: {  	[sflag:s10] =	ssyncadd.s32 $0xFFFFD800  }
0x297: {  	_ =	swait.ge [sflag:s10], $0x2800  }
0x298: {  	[sflag:s10] =	ssyncset.done $0x0  }
0x299: {  	[sflag:s10] =	ssyncadd.s32 $0xFFFFD800  }
0x29a: {  	_ =	swait.ge [sflag:s10], $0x2800  }
0x29b: {  	[sflag:s10] =	ssyncset.done $0x0  }
0x29c: {  	[sflag:s10] =	ssyncadd.s32 $0xFFFFD800  }
0x29d: {  	_ =	swait.ge [sflag:s10], $0x2800  }
0x29e: {  	[sflag:s10] =	ssyncset.done $0x0  }
0x29f: {  	[sflag:s10] =	ssyncadd.s32 $0xFFFFD800  }
0x2a0: {  	_ =	swait.ge [sflag:s10], $0x2800  }
0x2a1: {  	[sflag:s10] =	ssyncset.done $0x0  }
0x2a2: {  	[sflag:s10] =	ssyncadd.s32 $0xFFFFD800  }
0x2a3: {  	_ =	swait.ge [sflag:s10], $0x2800  }
0x2a4: {  	[sflag:s10] =	ssyncset.done $0x0  }
0x2a5: {  	[sflag:s10] =	ssyncadd.s32 $0xFFFFD800  }
0x2a6: {  	_ =	swait.ge [sflag:s10], $0x2800  }
0x2a7: {  	[sflag:s10] =	ssyncset.done $0x0  }
0x2a8: {  	[sflag:s10] =	ssyncadd.s32 $0xFFFFD800  }
0x2a9: {  	_ =	swait.ge [sflag:s10], $0x2800  }
0x2aa: {  	[sflag:s10] =	ssyncset.done $0x0  }
0x2ab: {  	[sflag:s10] =	ssyncadd.s32 $0xFFFFD800  }
0x2ac: {  	_ =	swait.ge [sflag:s10], $0x2800  }
0x2ad: {  	[sflag:s10] =	ssyncset.done $0x0  }
0x2ae: {  	[sflag:s10] =	ssyncadd.s32 $0xFFFFD800  }
0x2af: {  	_ =	swait.ge [sflag:s10], $0x2800  }
0x2b0: {  	[sflag:s10] =	ssyncset.done $0x0  }
0x2b1: {  	[sflag:s10] =	ssyncadd.s32 $0xFFFFD800  }
0x2b2: {  	_ =	swait.ge [sflag:s10], $0x2800  }
0x2b3: {  	[sflag:s10] =	ssyncset.done $0x0  }
0x2b4: {  	[sflag:s10] =	ssyncadd.s32 $0xFFFFD800  }
0x2b5: {  	_ =	swait.ge [sflag:s10], $0x2800  }
0x2b6: {  	[sflag:s10] =	ssyncset.done $0x0  }
0x2b7: {  	[sflag:s10] =	ssyncadd.s32 $0xFFFFD800  }
0x2b8: {  	_ =	swait.ge [sflag:s10], $0x2800  }
0x2b9: {  	[sflag:s10] =	ssyncset.done $0x0  }
0x2ba: {  	[sflag:s10] =	ssyncadd.s32 $0xFFFFD800  }
0x2bb: {  	_ =	swait.ge [sflag:s10], $0x2800  }
0x2bc: {  	[sflag:s10] =	ssyncset.done $0x0  }
0x2bd: {  	[sflag:s10] =	ssyncadd.s32 $0xFFFFD800  }
0x2be: {  	_ =	swait.ge [sflag:s10], $0x2800  }
0x2bf: {  	[sflag:s10] =	ssyncset.done $0x0  }
0x2c0: {  	[sflag:s10] =	ssyncadd.s32 $0xFFFFD800  }
0x2c1: {  	_ =	swait.ge [sflag:s10], $0x2800  }
0x2c2: {  	[sflag:s10] =	ssyncset.done $0x0  }
0x2c3: {  	[sflag:s10] =	ssyncadd.s32 $0xFFFFD800  }
0x2c4: {  	_ =	swait.ge [sflag:s10], $0x2800  }
0x2c5: {  	[sflag:s10] =	ssyncset.done $0x0  }
0x2c6: {  	[sflag:s10] =	ssyncadd.s32 $0xFFFFD800  }
0x2c7: {  	_ =	swait.ge [sflag:s10], $0x2800  }
0x2c8: {  	[sflag:s10] =	ssyncset.done $0x0  }
0x2c9: {  	[sflag:s10] =	ssyncadd.s32 $0xFFFFD800  }
0x2ca: {  	_ =	swait.ge [sflag:s10], $0x2800  }
0x2cb: {  	[sflag:s10] =	ssyncset.done $0x0  }
0x2cc: {  	[sflag:s10] =	ssyncadd.s32 $0xFFFFD800  }
0x2cd: {  	_ =	swait.ge [sflag:s10], $0x2800  }
0x2ce: {  	[sflag:s10] =	ssyncset.done $0x0  }
0x2cf: {  	[sflag:s10] =	ssyncadd.s32 $0xFFFFD800  }
0x2d0: {  	_ =	swait.ge [sflag:s10], $0x2800  }
0x2d1: {  	[sflag:s10] =	ssyncset.done $0x0  }
0x2d2: {  	[sflag:s10] =	ssyncadd.s32 $0xFFFFD800  }
0x2d3: {  	_ =	swait.ge [sflag:s10], $0x2800  }
0x2d4: {  	[sflag:s10] =	ssyncset.done $0x0  }
0x2d5: {  	[sflag:s10] =	ssyncadd.s32 $0xFFFFD800  }
0x2d6: {  	_ =	swait.ge [sflag:s10], $0x2800  }
0x2d7: {  	[sflag:s10] =	ssyncset.done $0x0  }
0x2d8: {  	[sflag:s10] =	ssyncadd.s32 $0xFFFFD800  }
0x2d9: {  	[bflag:$0x0] =	sbarrier.arrive $0xFFFF  }
0x2da: {  	[tilespmem:s5], [sflag:$0x4] =	stream.linear.gather [spmem:s24], $0x2800, $0x38;
	[tilespmem:$0x1D000] =	vst v63  }
0x2db: {  	_ =	swait.ge [sflag:s9], $0x2800  }
0x2dc: {  	[sflag:s9] =	ssyncset.done $0x0  }
0x2dd: {  	s6 =	rddreg [dreg:$0xd];
	[sflag:s9] =	ssyncadd.s32 $0xFFFFD800  }
0x2de: {  	[hbm4b:s6+s0] =	stream.linear.scatter [tilespmem:s5], [sflag:$0x4], $0x2800, $0x38;
	[tilespmem:$0x1D000] =	vst v63  }
0x2df: {  	_ =	swait.ge [sflag:s9], $0x2800  }
0x2e0: {  	[sflag:s9] =	ssyncset.done $0x0  }
0x2e1: {  	[sflag:s9] =	ssyncadd.s32 $0xFFFFD800  }
0x2e2: {  	[tilespmem:s5], [sflag:$0x4] =	stream.linear.gather [spmem:s25], $0x2800, $0x38;
	[tilespmem:$0x1D000] =	vst v63  }
0x2e3: {  	_ =	swait.ge [sflag:s9], $0x2800  }
0x2e4: {  	[sflag:s9] =	ssyncset.done $0x0  }
0x2e5: {  	s12 =	rddreg [dreg:$0xe];
	[sflag:s9] =	ssyncadd.s32 $0xFFFFD800  }
0x2e6: {  	[hbm4b:s12+s0] =	stream.linear.scatter [tilespmem:s5], [sflag:$0x4], $0x2800, $0x38;
	[tilespmem:$0x1D000] =	vst v63  }
0x2e7: {  	_ =	swait.ge [sflag:s9], $0x2800  }
0x2e8: {  	[sflag:s9] =	ssyncset.done $0x0  }
0x2e9: {  	[sflag:s9] =	ssyncadd.s32 $0xFFFFD800  }
0x2ea: {  	[tilespmem:s5], [sflag:$0x4] =	stream.linear.gather [spmem:s28], $0x2800, $0x38;
	[tilespmem:$0x1D000] =	vst v63  }
0x2eb: {  	_ =	swait.ge [sflag:s9], $0x2800  }
0x2ec: {  	[sflag:s9] =	ssyncset.done $0x0  }
0x2ed: {  	s13 =	rddreg [dreg:$0xf];
	[sflag:s9] =	ssyncadd.s32 $0xFFFFD800  }
0x2ee: {  	[hbm4b:s13+s0] =	stream.linear.scatter [tilespmem:s5], [sflag:$0x4], $0x2800, $0x38;
	[tilespmem:$0x1D000] =	vst v63  }
0x2ef: {  	_ =	swait.ge [sflag:s9], $0x2800  }
0x2f0: {  	[sflag:s9] =	ssyncset.done $0x0  }
0x2f1: {  	s14 =	rddreg [dreg:$0x17];
	[sflag:s9] =	ssyncadd.s32 $0xFFFFD800  }
0x2f2: {  	[tilespmem:s5], [sflag:$0x4] =	stream.linear.gather [spmem:s14], $0x2800, $0x38;
	[tilespmem:$0x1D000] =	vst v63  }
0x2f3: {  	_ =	swait.ge [sflag:s9], $0x2800  }
0x2f4: {  	[sflag:s9] =	ssyncset.done $0x0  }
0x2f5: {  	s16 =	rddreg [dreg:$0x10];
	[sflag:s9] =	ssyncadd.s32 $0xFFFFD800  }
0x2f6: {  	[hbm4b:s16+s0] =	stream.linear.scatter [tilespmem:s5], [sflag:$0x4], $0x2800, $0x38;
	[tilespmem:$0x1D000] =	vst v63  }
0x2f7: {  	_ =	swait.ge [sflag:s9], $0x2800  }
0x2f8: {  	[sflag:s9] =	ssyncset.done $0x0  }
0x2f9: {  	[sflag:s9] =	ssyncadd.s32 $0xFFFFD800  }
0x2fa: {  	[tilespmem:s5], [sflag:$0x4] =	stream.linear.gather [spmem:s17], $0x2800, $0x38;
	[tilespmem:$0x1D000] =	vst v63  }
0x2fb: {  	_ =	swait.ge [sflag:s9], $0x2800  }
0x2fc: {  	[sflag:s9] =	ssyncset.done $0x0  }
0x2fd: {  	s19 =	rddreg [dreg:$0x11];
	[sflag:s9] =	ssyncadd.s32 $0xFFFFD800  }
0x2fe: {  	[hbm4b:s19+s0] =	stream.linear.scatter [tilespmem:s5], [sflag:$0x4], $0x2800, $0x38;
	[tilespmem:$0x1D000] =	vst v63  }
0x2ff: {  	_ =	swait.ge [sflag:s9], $0x2800  }
0x300: {  	[sflag:s9] =	ssyncset.done $0x0  }
0x301: {  	[sflag:s9] =	ssyncadd.s32 $0xFFFFD800  }
0x302: {  	[tilespmem:s5], [sflag:$0x4] =	stream.linear.gather [spmem:s1], $0x2800, $0x38;
	[tilespmem:$0x1D000] =	vst v63  }
0x303: {  	_ =	swait.ge [sflag:s9], $0x2800  }
0x304: {  	[sflag:s9] =	ssyncset.done $0x0  }
0x305: {  	s26 =	rddreg [dreg:$0x12];
	[sflag:s9] =	ssyncadd.s32 $0xFFFFD800  }
0x306: {  	[hbm4b:s26+s0] =	stream.linear.scatter [tilespmem:s5], [sflag:$0x4], $0x2800, $0x38;
	[tilespmem:$0x1D000] =	vst v63  }
0x307: {  	_ =	swait.ge [sflag:s9], $0x2800  }
0x308: {  	[sflag:s9] =	ssyncset.done $0x0  }
0x309: {  	[sflag:s9] =	ssyncadd.s32 $0xFFFFD800  }
0x30a: {  	[tilespmem:s5], [sflag:$0x4] =	stream.linear.gather [spmem:s2], $0x2800, $0x38;
	[tilespmem:$0x1D000] =	vst v63  }
0x30b: {  	_ =	swait.ge [sflag:s9], $0x2800  }
0x30c: {  	[sflag:s9] =	ssyncset.done $0x0  }
0x30d: {  	s29 =	rddreg [dreg:$0x13];
	[sflag:s9] =	ssyncadd.s32 $0xFFFFD800  }
0x30e: {  	[hbm4b:s29+s0] =	stream.linear.scatter [tilespmem:s5], [sflag:$0x4], $0x2800, $0x38;
	[tilespmem:$0x1D000] =	vst v63  }
0x30f: {  	_ =	swait.ge [sflag:s9], $0x2800  }
0x310: {  	[sflag:s9] =	ssyncset.done $0x0  }
0x311: {  	[sflag:s9] =	ssyncadd.s32 $0xFFFFD800  }
0x312: {  	[tilespmem:s5], [sflag:$0x4] =	stream.linear.gather [spmem:s3], $0x2800, $0x38;
	[tilespmem:$0x1D000] =	vst v63  }
0x313: {  	_ =	swait.ge [sflag:s9], $0x2800  }
0x314: {  	[sflag:s9] =	ssyncset.done $0x0  }
0x315: {  	s30 =	rddreg [dreg:$0x14];
	[sflag:s9] =	ssyncadd.s32 $0xFFFFD800  }
0x316: {  	[hbm4b:s30+s0] =	stream.linear.scatter [tilespmem:s5], [sflag:$0x4], $0x2800, $0x38;
	[tilespmem:$0x1D000] =	vst v63  }
0x317: {  	_ =	swait.ge [sflag:s9], $0x2800  }
0x318: {  	s11 =	sadd.s32 $0x1, s11;
	s31 =	rddreg [dreg:$0x16]  }
0x319: {  	p0 =	sne.s32 s11, s31  }
.Ltmp6:
0x31a: {  	_ = 	snop;
	(pc) =	sbr.rel @p0 .LBB2_1-.Ltmp6, $3  }
0x31b: {  	_ =	sdelay $0x1  }
0x31c: {  	[sflag:s9] =	ssyncset.done $0x0  }
0x31d: {  	[sflag:s9] =	ssyncadd.s32 $0xFFFFD800  }
0x31e: {  	_ =	sfence.sel $0x180000  }
0x31f: {  	[bflag:$0x0] =	sbarrier.arrive $0xFFFF  }
0x320: {  	_ =	strace $0x90000047  }
0x321: {  	s0 =	stileid.u32;
	[bflag:$0x2] =	sbarrier.arrive $0xFFFF  }
0x322: {  	p0 =	sne.s32 s0, $0x0;
	s0 =	rddreg [dreg:$0x4]  }
0x323: {  	s0 =	sadd.s32 @!p0 $0x100000, s0  }
0x324: {  	[sflag:s0] =	ssyncadd.tile.s32 @!p0 $0x1;
	_ =	shalt  }
.Lfunc_end2:
_tile_overlayer_lowered:
.L_overlay_start_2:
0x325: {  	(tag) =	ssettag $0x2  }
0x326: {  	s0 =	rddreg [dreg:$0x0];
	s2 =	stileid.u32  }
0x327: {  	s1 =	rddreg [dreg:$0x1];
	p0 =	sne.s32 s2, $0x0  }
0x328: {  	s3 =	rddreg [dreg:$0x2];
	[bflag:$0x3] =	sbarrier.arrive $0xFFFF;
	s2 =	simm.s32 @!p0 $0x1C04  }
0x329: {  	[timem:s3], [sflag:s2] =	dma.local @!p0 [hbm:s0], s1  }
0x32a: {  	s0 =	simm.s32 @!p0 $0x4  }
0x32b: {  	_ =	swait.ge @!p0 [sflag:s0], s1  }
0x32c: {  	s1 =	ssub.s32 @!p0 $0x0, s1;
	[sflag:s0] =	ssyncset.done @!p0 $0x0  }
0x32d: {  	[sflag:s0] =	ssyncadd.s32 @!p0 s1  }
0x32e: {  	[bflag:$0x3] =	sbarrier.arrive $0xFFFF  }
0x32f: {  	_ =	shalt  }

</sc_bundles>
